<compile_context>
chip_gen: v7x
topology: tpu7x:2x2x1
jax: 0.10.2.dev20260603
libtpu: 0.0.44.dev20260713+nightly
codegen_flags: <defaults>
</compile_context>

<pallas_src>
import jax
import jax.numpy as jnp
from jax import lax
from jax.experimental import pallas as pl
from jax.experimental.pallas import tpu as pltpu
from jax.experimental.pallas import tpu_sc as plsc

_M = 1_000_000
_C = 64
_NU = 16384 * _C
_HALF = _M // 2
_COPY = (_M // 32) * _C
_CHUNK = 2048
_ROWS = _NU // 128
_PADR = 16
_CBUF = 25000


def _sc_body(self_hbm, os_hbm, vs_hbm, bnd_hbm, out_hbm,
             kbuf, vbuf, bndbuf, cb0, cb1, cb2, cb3, sem, semi, semo):
    cid = lax.axis_index("c")
    sid = lax.axis_index("s")
    wid = cid * 16 + sid

    base = wid * _COPY
    cbufs = [cb0, cb1, cb2, cb3]

    def copy_group(q, _):
        gb = pl.multiple_of(base + q * 4 * _CBUF, 8)
        for h in range(4):
            @pl.when(q > 0)
            def _():
                pltpu.make_async_copy(
                    cbufs[h], out_hbm.at[pl.ds(base, _CBUF)],
                    semo.at[h]).wait()
        lds = [pltpu.async_copy(
                   self_hbm.at[pl.ds(gb + h * _CBUF, _CBUF)],
                   cbufs[h], semi.at[h])
               for h in range(4)]
        for h in range(4):
            lds[h].wait()
            pltpu.async_copy(cbufs[h],
                             out_hbm.at[pl.ds(gb + h * _CBUF, _CBUF)],
                             semo.at[h])
        return 0

    lax.fori_loop(0, _COPY // (4 * _CBUF), copy_group, 0)
    for h in range(4):
        pltpu.make_async_copy(cbufs[h], out_hbm.at[pl.ds(base, _CBUF)],
                              semo.at[h]).wait()
    plsc.subcore_barrier()

    pltpu.sync_copy(bnd_hbm.at[wid], bndbuf)
    bvec = bndbuf[...]

    def do_chunk(k, u0):
        b = pl.multiple_of(u0 + k * _CHUNK, 8)
        l1 = pltpu.async_copy(os_hbm.at[pl.ds(b, _CHUNK)], kbuf, semi.at[0])
        l2 = pltpu.async_copy(vs_hbm.at[pl.ds(b, _CHUNK)], vbuf, semi.at[1])
        l1.wait()
        l2.wait()
        pltpu.async_copy(vbuf, out_hbm.at[kbuf], sem).wait()
        return u0

    for cc in range(4):
        s = bvec[2 * cc]
        e = bvec[2 * cc + 1]
        u0 = s - (s & 7)
        nch = (e - u0 + _CHUNK - 1) >> 11
        lax.fori_loop(0, nch, do_chunk, u0)


@jax.jit
def _sc_scatter(self_flat, os2, vs2, bnd):
    kern = pl.kernel(
        _sc_body,
        out_type=jax.ShapeDtypeStruct((_M * _C,), jnp.float32),
        mesh=plsc.VectorSubcoreMesh(core_axis_name="c", subcore_axis_name="s"),
        scratch_types=[
            pltpu.VMEM((_CHUNK,), jnp.int32),
            pltpu.VMEM((_CHUNK,), jnp.float32),
            pltpu.VMEM((16,), jnp.int32),
            pltpu.VMEM((_CBUF,), jnp.float32),
            pltpu.VMEM((_CBUF,), jnp.float32),
            pltpu.VMEM((_CBUF,), jnp.float32),
            pltpu.VMEM((_CBUF,), jnp.float32),
            pltpu.SemaphoreType.DMA,
            pltpu.SemaphoreType.DMA((4,)),
            pltpu.SemaphoreType.DMA((4,)),
        ],
    )
    return kern(self_flat, os2, vs2, bnd)


def _shift(a, k, fill):
    return jnp.concatenate([a[k:], jnp.full((k,), fill, a.dtype)])


def kernel(self_tensor, index, src):
    u = jnp.arange(_NU, dtype=jnp.int32)
    keys = index.reshape(-1) + (u % _C) * _M
    ks, vs = lax.sort((keys, src.reshape(-1)), dimension=0, is_stable=False,
                      num_keys=1)
    k1, k2, k3, k4, k5 = (_shift(ks, i, -1) for i in range(1, 6))
    v1, v2, v3, v4, v5 = (_shift(vs, i, 0.0) for i in range(1, 6))
    wv = jnp.where(ks != k1, vs,
         jnp.where(k1 != k2, v1,
         jnp.where(k2 != k3, v2,
         jnp.where(k3 != k4, v3,
         jnp.where(k4 != k5, v4, v5)))))
    offs = (ks % _M) * _C + ks // _M
    os2 = jnp.concatenate([offs, jnp.broadcast_to(offs[-1:], (_PADR * 128,))])
    vs2 = jnp.concatenate([wv, jnp.broadcast_to(wv[-1:], (_PADR * 128,))])
    q = (jnp.arange(_C, dtype=jnp.int32)[:, None] * _M
         + jnp.arange(4, dtype=jnp.int32)[None, :] * _HALF)
    bnd = jnp.searchsorted(ks, q.reshape(-1), side="left").astype(jnp.int32)
    wid = jnp.arange(32, dtype=jnp.int32)[:, None]
    ccv = jnp.arange(4, dtype=jnp.int32)[None, :]
    sidx = 4 * (4 * (wid % 16) + ccv) + wid // 16
    pairs = jnp.stack([sidx, sidx + 1], axis=-1).reshape(32, 8)
    bndw = jnp.concatenate(
        [bnd[pairs], jnp.zeros((32, 8), jnp.int32)], axis=1)
    out_flat = _sc_scatter(self_tensor.reshape(-1), os2, vs2, bndw)
    return out_flat.reshape(_M, _C)

# --- scband reference (transcript-rebuilt; emitter-appended) ---
"""Pipeline reference for scband-model-22265110462502 (READ-ONLY COPY).

The authoritative reference and input builder live on the scoring server;
editing this copy changes nothing except your own understanding.
"""

import jax, jax.numpy as jnp
import numpy as np


def setup_inputs(seed: int = 0) -> dict:
    key = jax.random.key(seed)
    k1, k2, k3 = jax.random.split(key, 3)
    self_tensor = jax.random.normal(k1, (1000000, 64), dtype=jnp.float32)
    index = jax.random.randint(k2, (16384, 64), 0, 1000000, dtype=jnp.int32)
    src = jax.random.normal(k3, (16384, 64), dtype=jnp.float32)
    return {"self_tensor": self_tensor, "index": index, "src": src}


def reference(self_tensor, index, src):
    # torch scatter_(0, index, src): output[index[i, j], j] = src[i, j]
    col = jnp.broadcast_to(jnp.arange(src.shape[1], dtype=index.dtype)[None, :], index.shape)
    output = self_tensor.at[index, col].set(src)
    return output

if __name__ == "__main__":
    import jax
    _d = setup_inputs()
    print(jax.jit(kernel)(*tuple(_d.values())))

</pallas_src>

<mosaic_0001>
#map = affine_map<(d0, d1) -> (0)>
#map1 = affine_map<(d0, d1) -> (0, 0)>
module attributes {stable_mosaic.version = 14 : i64} {
  func.func @_sc_body(%arg0: i32, %arg1: i32, %arg2: memref<64000000xf32, #tpu.memory_space<hbm>>, %arg3: memref<1050624xi32, #tpu.memory_space<hbm>>, %arg4: memref<1050624xf32, #tpu.memory_space<hbm>>, %arg5: memref<32x16xi32, #tpu.memory_space<hbm>>, %arg6: memref<64000000xf32, #tpu.memory_space<hbm>>, %arg7: memref<2048xi32, #tpu.memory_space<vmem>>, %arg8: memref<2048xf32, #tpu.memory_space<vmem>>, %arg9: memref<16xi32, #tpu.memory_space<vmem>>, %arg10: memref<25000xf32, #tpu.memory_space<vmem>>, %arg11: memref<25000xf32, #tpu.memory_space<vmem>>, %arg12: memref<25000xf32, #tpu.memory_space<vmem>>, %arg13: memref<25000xf32, #tpu.memory_space<vmem>>, %arg14: memref<!tpu.dma_semaphore, #tpu.memory_space<semaphore_mem>>, %arg15: memref<4x!tpu.dma_semaphore, #tpu.memory_space<semaphore_mem>>, %arg16: memref<4x!tpu.dma_semaphore, #tpu.memory_space<semaphore_mem>>) attributes {dimension_semantics = [#tpu.dimension_semantics<core_parallel>, #tpu.dimension_semantics<subcore_parallel>], iteration_bounds = array<i64: 2, 16>, scalar_prefetch = 0 : i64, scratch_operands = 10 : i64, tpu.core_type = #tpu.core_type<sc_vector_subcore>, window_params = [{transform_indices = #map}, {transform_indices = #map}, {transform_indices = #map}, {transform_indices = #map1}, {transform_indices = #map}]} {
    %mul3A = arith.constant 16 : i32
    %mul3A_0 = arith.muli %arg0, %mul3A : i32
    %add3A = arith.addi %mul3A_0, %arg1 : i32
    %mul3A_1 = arith.constant 2000000 : i32
    %mul3A_2 = arith.muli %add3A, %mul3A_1 : i32
    %scan3A = arith.constant 0 : i32
    %scan3A_3 = arith.constant 0 : i32
    %scan3A_4 = arith.constant 20 : i32
    %scan3A_5 = arith.addi %scan3A_3, %scan3A_4 : i32
    %scan3A_6 = arith.constant 1 : i32
    %scan3A_7 = scf.for %scan3A_116 = %scan3A_3 to %scan3A_5 step %scan3A_6 iter_args(%scan3A_117 = %scan3A) -> (i32)  : i32 {
      %mul3A_118 = arith.constant 4 : i32
      %mul3A_119 = arith.muli %scan3A_116, %mul3A_118 : i32
      %mul3A_120 = arith.constant 25000 : i32
      %mul3A_121 = arith.muli %mul3A_119, %mul3A_120 : i32
      %add3A_122 = arith.addi %mul3A_2, %mul3A_121 : i32
      %multiple_of3A = tpu.assume_multiple %add3A_122, 8 : i32
      %gt3A = arith.constant 0 : i32
      %gt3A_123 = arith.cmpi sgt, %scan3A_116, %gt3A : i32
      %convert_element_type3A = arith.extui %gt3A_123 : i1 to i32
      %cond3A = arith.constant 0 : i32
      %cond3A_124 = arith.cmpi ne, %convert_element_type3A, %cond3A : i32
      scf.if %cond3A_124 {
        %dma_wait3A_216 = arith.constant 0 : i32
        %dma_wait3A_217 = tpu.memref_slice %arg6[%mul3A_2] : memref<64000000xf32, #tpu.memory_space<hbm>> -> memref<25000xf32, #tpu.memory_space<hbm>>
        %dma_wait3A_218 = tpu.memref_slice %arg16[%dma_wait3A_216] : memref<4x!tpu.dma_semaphore, #tpu.memory_space<semaphore_mem>> -> memref<1x!tpu.dma_semaphore, #tpu.memory_space<semaphore_mem>>
        %dma_wait3A_219 = tpu.memref_squeeze %dma_wait3A_218 : memref<1x!tpu.dma_semaphore, #tpu.memory_space<semaphore_mem>> -> memref<!tpu.dma_semaphore, #tpu.memory_space<semaphore_mem>>
        %dma_wait3A_220 = tpu.memref_slice %arg6[%mul3A_2] : memref<64000000xf32, #tpu.memory_space<hbm>> -> memref<25000xf32, #tpu.memory_space<hbm>>
        tpu.wait_dma2 semaphore(%dma_wait3A_219 : memref<!tpu.dma_semaphore, #tpu.memory_space<semaphore_mem>>) src(%arg10 : memref<25000xf32, #tpu.memory_space<vmem>>) dst(%dma_wait3A_220 : memref<25000xf32, #tpu.memory_space<hbm>>)
      } else {
      }
      %gt3A_125 = arith.constant 0 : i32
      %gt3A_126 = arith.cmpi sgt, %scan3A_116, %gt3A_125 : i32
      %convert_element_type3A_127 = arith.extui %gt3A_126 : i1 to i32
      %cond3A_128 = arith.constant 0 : i32
      %cond3A_129 = arith.cmpi ne, %convert_element_type3A_127, %cond3A_128 : i32
      scf.if %cond3A_129 {
        %dma_wait3A_216 = arith.constant 1 : i32
        %dma_wait3A_217 = tpu.memref_slice %arg6[%mul3A_2] : memref<64000000xf32, #tpu.memory_space<hbm>> -> memref<25000xf32, #tpu.memory_space<hbm>>
        %dma_wait3A_218 = tpu.memref_slice %arg16[%dma_wait3A_216] : memref<4x!tpu.dma_semaphore, #tpu.memory_space<semaphore_mem>> -> memref<1x!tpu.dma_semaphore, #tpu.memory_space<semaphore_mem>>
        %dma_wait3A_219 = tpu.memref_squeeze %dma_wait3A_218 : memref<1x!tpu.dma_semaphore, #tpu.memory_space<semaphore_mem>> -> memref<!tpu.dma_semaphore, #tpu.memory_space<semaphore_mem>>
        %dma_wait3A_220 = tpu.memref_slice %arg6[%mul3A_2] : memref<64000000xf32, #tpu.memory_space<hbm>> -> memref<25000xf32, #tpu.memory_space<hbm>>
        tpu.wait_dma2 semaphore(%dma_wait3A_219 : memref<!tpu.dma_semaphore, #tpu.memory_space<semaphore_mem>>) src(%arg11 : memref<25000xf32, #tpu.memory_space<vmem>>) dst(%dma_wait3A_220 : memref<25000xf32, #tpu.memory_space<hbm>>)
      } else {
      }
      %gt3A_130 = arith.constant 0 : i32
      %gt3A_131 = arith.cmpi sgt, %scan3A_116, %gt3A_130 : i32
      %convert_element_type3A_132 = arith.extui %gt3A_131 : i1 to i32
      %cond3A_133 = arith.constant 0 : i32
      %cond3A_134 = arith.cmpi ne, %convert_element_type3A_132, %cond3A_133 : i32
      scf.if %cond3A_134 {
        %dma_wait3A_216 = arith.constant 2 : i32
        %dma_wait3A_217 = tpu.memref_slice %arg6[%mul3A_2] : memref<64000000xf32, #tpu.memory_space<hbm>> -> memref<25000xf32, #tpu.memory_space<hbm>>
        %dma_wait3A_218 = tpu.memref_slice %arg16[%dma_wait3A_216] : memref<4x!tpu.dma_semaphore, #tpu.memory_space<semaphore_mem>> -> memref<1x!tpu.dma_semaphore, #tpu.memory_space<semaphore_mem>>
        %dma_wait3A_219 = tpu.memref_squeeze %dma_wait3A_218 : memref<1x!tpu.dma_semaphore, #tpu.memory_space<semaphore_mem>> -> memref<!tpu.dma_semaphore, #tpu.memory_space<semaphore_mem>>
        %dma_wait3A_220 = tpu.memref_slice %arg6[%mul3A_2] : memref<64000000xf32, #tpu.memory_space<hbm>> -> memref<25000xf32, #tpu.memory_space<hbm>>
        tpu.wait_dma2 semaphore(%dma_wait3A_219 : memref<!tpu.dma_semaphore, #tpu.memory_space<semaphore_mem>>) src(%arg12 : memref<25000xf32, #tpu.memory_space<vmem>>) dst(%dma_wait3A_220 : memref<25000xf32, #tpu.memory_space<hbm>>)
      } else {
      }
      %gt3A_135 = arith.constant 0 : i32
      %gt3A_136 = arith.cmpi sgt, %scan3A_116, %gt3A_135 : i32
      %convert_element_type3A_137 = arith.extui %gt3A_136 : i1 to i32
      %cond3A_138 = arith.constant 0 : i32
      %cond3A_139 = arith.cmpi ne, %convert_element_type3A_137, %cond3A_138 : i32
      scf.if %cond3A_139 {
        %dma_wait3A_216 = arith.constant 3 : i32
        %dma_wait3A_217 = tpu.memref_slice %arg6[%mul3A_2] : memref<64000000xf32, #tpu.memory_space<hbm>> -> memref<25000xf32, #tpu.memory_space<hbm>>
        %dma_wait3A_218 = tpu.memref_slice %arg16[%dma_wait3A_216] : memref<4x!tpu.dma_semaphore, #tpu.memory_space<semaphore_mem>> -> memref<1x!tpu.dma_semaphore, #tpu.memory_space<semaphore_mem>>
        %dma_wait3A_219 = tpu.memref_squeeze %dma_wait3A_218 : memref<1x!tpu.dma_semaphore, #tpu.memory_space<semaphore_mem>> -> memref<!tpu.dma_semaphore, #tpu.memory_space<semaphore_mem>>
        %dma_wait3A_220 = tpu.memref_slice %arg6[%mul3A_2] : memref<64000000xf32, #tpu.memory_space<hbm>> -> memref<25000xf32, #tpu.memory_space<hbm>>
        tpu.wait_dma2 semaphore(%dma_wait3A_219 : memref<!tpu.dma_semaphore, #tpu.memory_space<semaphore_mem>>) src(%arg13 : memref<25000xf32, #tpu.memory_space<vmem>>) dst(%dma_wait3A_220 : memref<25000xf32, #tpu.memory_space<hbm>>)
      } else {
      }
      %add3A_140 = arith.constant 0 : i32
      %add3A_141 = arith.addi %multiple_of3A, %add3A_140 : i32
      %dma_start3A = arith.constant 0 : i32
      %dma_start3A_142 = tpu.memref_slice %arg2[%add3A_141] : memref<64000000xf32, #tpu.memory_space<hbm>> -> memref<25000xf32, #tpu.memory_space<hbm>>
      %dma_start3A_143 = tpu.memref_slice %arg15[%dma_start3A] : memref<4x!tpu.dma_semaphore, #tpu.memory_space<semaphore_mem>> -> memref<1x!tpu.dma_semaphore, #tpu.memory_space<semaphore_mem>>
      %dma_start3A_144 = tpu.memref_squeeze %dma_start3A_143 : memref<1x!tpu.dma_semaphore, #tpu.memory_space<semaphore_mem>> -> memref<!tpu.dma_semaphore, #tpu.memory_space<semaphore_mem>>
      %dma_start3A_145 = tpu.memref_slice %arg2[%add3A_141] : memref<64000000xf32, #tpu.memory_space<hbm>> -> memref<25000xf32, #tpu.memory_space<hbm>>
      tpu.enqueue_dma source(%dma_start3A_145 : memref<25000xf32, #tpu.memory_space<hbm>>) target(%arg10 : memref<25000xf32, #tpu.memory_space<vmem>>) target_semaphore(%dma_start3A_144 : memref<!tpu.dma_semaphore, #tpu.memory_space<semaphore_mem>>)
      %add3A_146 = arith.constant 25000 : i32
      %add3A_147 = arith.addi %multiple_of3A, %add3A_146 : i32
      %dma_start3A_148 = arith.constant 1 : i32
      %dma_start3A_149 = tpu.memref_slice %arg2[%add3A_147] : memref<64000000xf32, #tpu.memory_space<hbm>> -> memref<25000xf32, #tpu.memory_space<hbm>>
      %dma_start3A_150 = tpu.memref_slice %arg15[%dma_start3A_148] : memref<4x!tpu.dma_semaphore, #tpu.memory_space<semaphore_mem>> -> memref<1x!tpu.dma_semaphore, #tpu.memory_space<semaphore_mem>>
      %dma_start3A_151 = tpu.memref_squeeze %dma_start3A_150 : memref<1x!tpu.dma_semaphore, #tpu.memory_space<semaphore_mem>> -> memref<!tpu.dma_semaphore, #tpu.memory_space<semaphore_mem>>
      %dma_start3A_152 = tpu.memref_slice %arg2[%add3A_147] : memref<64000000xf32, #tpu.memory_space<hbm>> -> memref<25000xf32, #tpu.memory_space<hbm>>
      tpu.enqueue_dma source(%dma_start3A_152 : memref<25000xf32, #tpu.memory_space<hbm>>) target(%arg11 : memref<25000xf32, #tpu.memory_space<vmem>>) target_semaphore(%dma_start3A_151 : memref<!tpu.dma_semaphore, #tpu.memory_space<semaphore_mem>>)
      %add3A_153 = arith.constant 50000 : i32
      %add3A_154 = arith.addi %multiple_of3A, %add3A_153 : i32
      %dma_start3A_155 = arith.constant 2 : i32
      %dma_start3A_156 = tpu.memref_slice %arg2[%add3A_154] : memref<64000000xf32, #tpu.memory_space<hbm>> -> memref<25000xf32, #tpu.memory_space<hbm>>
      %dma_start3A_157 = tpu.memref_slice %arg15[%dma_start3A_155] : memref<4x!tpu.dma_semaphore, #tpu.memory_space<semaphore_mem>> -> memref<1x!tpu.dma_semaphore, #tpu.memory_space<semaphore_mem>>
      %dma_start3A_158 = tpu.memref_squeeze %dma_start3A_157 : memref<1x!tpu.dma_semaphore, #tpu.memory_space<semaphore_mem>> -> memref<!tpu.dma_semaphore, #tpu.memory_space<semaphore_mem>>
      %dma_start3A_159 = tpu.memref_slice %arg2[%add3A_154] : memref<64000000xf32, #tpu.memory_space<hbm>> -> memref<25000xf32, #tpu.memory_space<hbm>>
      tpu.enqueue_dma source(%dma_start3A_159 : memref<25000xf32, #tpu.memory_space<hbm>>) target(%arg12 : memref<25000xf32, #tpu.memory_space<vmem>>) target_semaphore(%dma_start3A_158 : memref<!tpu.dma_semaphore, #tpu.memory_space<semaphore_mem>>)
      %add3A_160 = arith.constant 75000 : i32
      %add3A_161 = arith.addi %multiple_of3A, %add3A_160 : i32
      %dma_start3A_162 = arith.constant 3 : i32
      %dma_start3A_163 = tpu.memref_slice %arg2[%add3A_161] : memref<64000000xf32, #tpu.memory_space<hbm>> -> memref<25000xf32, #tpu.memory_space<hbm>>
      %dma_start3A_164 = tpu.memref_slice %arg15[%dma_start3A_162] : memref<4x!tpu.dma_semaphore, #tpu.memory_space<semaphore_mem>> -> memref<1x!tpu.dma_semaphore, #tpu.memory_space<semaphore_mem>>
      %dma_start3A_165 = tpu.memref_squeeze %dma_start3A_164 : memref<1x!tpu.dma_semaphore, #tpu.memory_space<semaphore_mem>> -> memref<!tpu.dma_semaphore, #tpu.memory_space<semaphore_mem>>
      %dma_start3A_166 = tpu.memref_slice %arg2[%add3A_161] : memref<64000000xf32, #tpu.memory_space<hbm>> -> memref<25000xf32, #tpu.memory_space<hbm>>
      tpu.enqueue_dma source(%dma_start3A_166 : memref<25000xf32, #tpu.memory_space<hbm>>) target(%arg13 : memref<25000xf32, #tpu.memory_space<vmem>>) target_semaphore(%dma_start3A_165 : memref<!tpu.dma_semaphore, #tpu.memory_space<semaphore_mem>>)
      %dma_wait3A_167 = arith.constant 0 : i32
      %dma_wait3A_168 = tpu.memref_slice %arg2[%add3A_141] : memref<64000000xf32, #tpu.memory_space<hbm>> -> memref<25000xf32, #tpu.memory_space<hbm>>
      %dma_wait3A_169 = tpu.memref_slice %arg15[%dma_wait3A_167] : memref<4x!tpu.dma_semaphore, #tpu.memory_space<semaphore_mem>> -> memref<1x!tpu.dma_semaphore, #tpu.memory_space<semaphore_mem>>
      %dma_wait3A_170 = tpu.memref_squeeze %dma_wait3A_169 : memref<1x!tpu.dma_semaphore, #tpu.memory_space<semaphore_mem>> -> memref<!tpu.dma_semaphore, #tpu.memory_space<semaphore_mem>>
      %dma_wait3A_171 = tpu.memref_slice %arg2[%add3A_141] : memref<64000000xf32, #tpu.memory_space<hbm>> -> memref<25000xf32, #tpu.memory_space<hbm>>
      tpu.wait_dma2 semaphore(%dma_wait3A_170 : memref<!tpu.dma_semaphore, #tpu.memory_space<semaphore_mem>>) src(%dma_wait3A_171 : memref<25000xf32, #tpu.memory_space<hbm>>) dst(%arg10 : memref<25000xf32, #tpu.memory_space<vmem>>)
      %add3A_172 = arith.constant 0 : i32
      %add3A_173 = arith.addi %multiple_of3A, %add3A_172 : i32
      %dma_start3A_174 = arith.constant 0 : i32
      %dma_start3A_175 = tpu.memref_slice %arg6[%add3A_173] : memref<64000000xf32, #tpu.memory_space<hbm>> -> memref<25000xf32, #tpu.memory_space<hbm>>
      %dma_start3A_176 = tpu.memref_slice %arg16[%dma_start3A_174] : memref<4x!tpu.dma_semaphore, #tpu.memory_space<semaphore_mem>> -> memref<1x!tpu.dma_semaphore, #tpu.memory_space<semaphore_mem>>
      %dma_start3A_177 = tpu.memref_squeeze %dma_start3A_176 : memref<1x!tpu.dma_semaphore, #tpu.memory_space<semaphore_mem>> -> memref<!tpu.dma_semaphore, #tpu.memory_space<semaphore_mem>>
      %dma_start3A_178 = tpu.memref_slice %arg6[%add3A_173] : memref<64000000xf32, #tpu.memory_space<hbm>> -> memref<25000xf32, #tpu.memory_space<hbm>>
      tpu.enqueue_dma source(%arg10 : memref<25000xf32, #tpu.memory_space<vmem>>) target(%dma_start3A_178 : memref<25000xf32, #tpu.memory_space<hbm>>) target_semaphore(%dma_start3A_177 : memref<!tpu.dma_semaphore, #tpu.memory_space<semaphore_mem>>)
      %dma_wait3A_179 = arith.constant 1 : i32
      %dma_wait3A_180 = tpu.memref_slice %arg2[%add3A_147] : memref<64000000xf32, #tpu.memory_space<hbm>> -> memref<25000xf32, #tpu.memory_space<hbm>>
      %dma_wait3A_181 = tpu.memref_slice %arg15[%dma_wait3A_179] : memref<4x!tpu.dma_semaphore, #tpu.memory_space<semaphore_mem>> -> memref<1x!tpu.dma_semaphore, #tpu.memory_space<semaphore_mem>>
      %dma_wait3A_182 = tpu.memref_squeeze %dma_wait3A_181 : memref<1x!tpu.dma_semaphore, #tpu.memory_space<semaphore_mem>> -> memref<!tpu.dma_semaphore, #tpu.memory_space<semaphore_mem>>
      %dma_wait3A_183 = tpu.memref_slice %arg2[%add3A_147] : memref<64000000xf32, #tpu.memory_space<hbm>> -> memref<25000xf32, #tpu.memory_space<hbm>>
      tpu.wait_dma2 semaphore(%dma_wait3A_182 : memref<!tpu.dma_semaphore, #tpu.memory_space<semaphore_mem>>) src(%dma_wait3A_183 : memref<25000xf32, #tpu.memory_space<hbm>>) dst(%arg11 : memref<25000xf32, #tpu.memory_space<vmem>>)
      %add3A_184 = arith.constant 25000 : i32
      %add3A_185 = arith.addi %multiple_of3A, %add3A_184 : i32
      %dma_start3A_186 = arith.constant 1 : i32
      %dma_start3A_187 = tpu.memref_slice %arg6[%add3A_185] : memref<64000000xf32, #tpu.memory_space<hbm>> -> memref<25000xf32, #tpu.memory_space<hbm>>
      %dma_start3A_188 = tpu.memref_slice %arg16[%dma_start3A_186] : memref<4x!tpu.dma_semaphore, #tpu.memory_space<semaphore_mem>> -> memref<1x!tpu.dma_semaphore, #tpu.memory_space<semaphore_mem>>
      %dma_start3A_189 = tpu.memref_squeeze %dma_start3A_188 : memref<1x!tpu.dma_semaphore, #tpu.memory_space<semaphore_mem>> -> memref<!tpu.dma_semaphore, #tpu.memory_space<semaphore_mem>>
      %dma_start3A_190 = tpu.memref_slice %arg6[%add3A_185] : memref<64000000xf32, #tpu.memory_space<hbm>> -> memref<25000xf32, #tpu.memory_space<hbm>>
      tpu.enqueue_dma source(%arg11 : memref<25000xf32, #tpu.memory_space<vmem>>) target(%dma_start3A_190 : memref<25000xf32, #tpu.memory_space<hbm>>) target_semaphore(%dma_start3A_189 : memref<!tpu.dma_semaphore, #tpu.memory_space<semaphore_mem>>)
      %dma_wait3A_191 = arith.constant 2 : i32
      %dma_wait3A_192 = tpu.memref_slice %arg2[%add3A_154] : memref<64000000xf32, #tpu.memory_space<hbm>> -> memref<25000xf32, #tpu.memory_space<hbm>>
      %dma_wait3A_193 = tpu.memref_slice %arg15[%dma_wait3A_191] : memref<4x!tpu.dma_semaphore, #tpu.memory_space<semaphore_mem>> -> memref<1x!tpu.dma_semaphore, #tpu.memory_space<semaphore_mem>>
      %dma_wait3A_194 = tpu.memref_squeeze %dma_wait3A_193 : memref<1x!tpu.dma_semaphore, #tpu.memory_space<semaphore_mem>> -> memref<!tpu.dma_semaphore, #tpu.memory_space<semaphore_mem>>
      %dma_wait3A_195 = tpu.memref_slice %arg2[%add3A_154] : memref<64000000xf32, #tpu.memory_space<hbm>> -> memref<25000xf32, #tpu.memory_space<hbm>>
      tpu.wait_dma2 semaphore(%dma_wait3A_194 : memref<!tpu.dma_semaphore, #tpu.memory_space<semaphore_mem>>) src(%dma_wait3A_195 : memref<25000xf32, #tpu.memory_space<hbm>>) dst(%arg12 : memref<25000xf32, #tpu.memory_space<vmem>>)
      %add3A_196 = arith.constant 50000 : i32
      %add3A_197 = arith.addi %multiple_of3A, %add3A_196 : i32
      %dma_start3A_198 = arith.constant 2 : i32
      %dma_start3A_199 = tpu.memref_slice %arg6[%add3A_197] : memref<64000000xf32, #tpu.memory_space<hbm>> -> memref<25000xf32, #tpu.memory_space<hbm>>
      %dma_start3A_200 = tpu.memref_slice %arg16[%dma_start3A_198] : memref<4x!tpu.dma_semaphore, #tpu.memory_space<semaphore_mem>> -> memref<1x!tpu.dma_semaphore, #tpu.memory_space<semaphore_mem>>
      %dma_start3A_201 = tpu.memref_squeeze %dma_start3A_200 : memref<1x!tpu.dma_semaphore, #tpu.memory_space<semaphore_mem>> -> memref<!tpu.dma_semaphore, #tpu.memory_space<semaphore_mem>>
      %dma_start3A_202 = tpu.memref_slice %arg6[%add3A_197] : memref<64000000xf32, #tpu.memory_space<hbm>> -> memref<25000xf32, #tpu.memory_space<hbm>>
      tpu.enqueue_dma source(%arg12 : memref<25000xf32, #tpu.memory_space<vmem>>) target(%dma_start3A_202 : memref<25000xf32, #tpu.memory_space<hbm>>) target_semaphore(%dma_start3A_201 : memref<!tpu.dma_semaphore, #tpu.memory_space<semaphore_mem>>)
      %dma_wait3A_203 = arith.constant 3 : i32
      %dma_wait3A_204 = tpu.memref_slice %arg2[%add3A_161] : memref<64000000xf32, #tpu.memory_space<hbm>> -> memref<25000xf32, #tpu.memory_space<hbm>>
      %dma_wait3A_205 = tpu.memref_slice %arg15[%dma_wait3A_203] : memref<4x!tpu.dma_semaphore, #tpu.memory_space<semaphore_mem>> -> memref<1x!tpu.dma_semaphore, #tpu.memory_space<semaphore_mem>>
      %dma_wait3A_206 = tpu.memref_squeeze %dma_wait3A_205 : memref<1x!tpu.dma_semaphore, #tpu.memory_space<semaphore_mem>> -> memref<!tpu.dma_semaphore, #tpu.memory_space<semaphore_mem>>
      %dma_wait3A_207 = tpu.memref_slice %arg2[%add3A_161] : memref<64000000xf32, #tpu.memory_space<hbm>> -> memref<25000xf32, #tpu.memory_space<hbm>>
      tpu.wait_dma2 semaphore(%dma_wait3A_206 : memref<!tpu.dma_semaphore, #tpu.memory_space<semaphore_mem>>) src(%dma_wait3A_207 : memref<25000xf32, #tpu.memory_space<hbm>>) dst(%arg13 : memref<25000xf32, #tpu.memory_space<vmem>>)
      %add3A_208 = arith.constant 75000 : i32
      %add3A_209 = arith.addi %multiple_of3A, %add3A_208 : i32
      %dma_start3A_210 = arith.constant 3 : i32
      %dma_start3A_211 = tpu.memref_slice %arg6[%add3A_209] : memref<64000000xf32, #tpu.memory_space<hbm>> -> memref<25000xf32, #tpu.memory_space<hbm>>
      %dma_start3A_212 = tpu.memref_slice %arg16[%dma_start3A_210] : memref<4x!tpu.dma_semaphore, #tpu.memory_space<semaphore_mem>> -> memref<1x!tpu.dma_semaphore, #tpu.memory_space<semaphore_mem>>
      %dma_start3A_213 = tpu.memref_squeeze %dma_start3A_212 : memref<1x!tpu.dma_semaphore, #tpu.memory_space<semaphore_mem>> -> memref<!tpu.dma_semaphore, #tpu.memory_space<semaphore_mem>>
      %dma_start3A_214 = tpu.memref_slice %arg6[%add3A_209] : memref<64000000xf32, #tpu.memory_space<hbm>> -> memref<25000xf32, #tpu.memory_space<hbm>>
      tpu.enqueue_dma source(%arg13 : memref<25000xf32, #tpu.memory_space<vmem>>) target(%dma_start3A_214 : memref<25000xf32, #tpu.memory_space<hbm>>) target_semaphore(%dma_start3A_213 : memref<!tpu.dma_semaphore, #tpu.memory_space<semaphore_mem>>)
      %scan3A_215 = arith.constant 0 : i32
      scf.yield %scan3A_215 : i32
    }
    %scan3A_8 = arith.constant 20 : i32
    %dma_wait3A = arith.constant 0 : i32
    %dma_wait3A_9 = tpu.memref_slice %arg6[%mul3A_2] : memref<64000000xf32, #tpu.memory_space<hbm>> -> memref<25000xf32, #tpu.memory_space<hbm>>
    %dma_wait3A_10 = tpu.memref_slice %arg16[%dma_wait3A] : memref<4x!tpu.dma_semaphore, #tpu.memory_space<semaphore_mem>> -> memref<1x!tpu.dma_semaphore, #tpu.memory_space<semaphore_mem>>
    %dma_wait3A_11 = tpu.memref_squeeze %dma_wait3A_10 : memref<1x!tpu.dma_semaphore, #tpu.memory_space<semaphore_mem>> -> memref<!tpu.dma_semaphore, #tpu.memory_space<semaphore_mem>>
    %dma_wait3A_12 = tpu.memref_slice %arg6[%mul3A_2] : memref<64000000xf32, #tpu.memory_space<hbm>> -> memref<25000xf32, #tpu.memory_space<hbm>>
    tpu.wait_dma2 semaphore(%dma_wait3A_11 : memref<!tpu.dma_semaphore, #tpu.memory_space<semaphore_mem>>) src(%arg10 : memref<25000xf32, #tpu.memory_space<vmem>>) dst(%dma_wait3A_12 : memref<25000xf32, #tpu.memory_space<hbm>>)
    %dma_wait3A_13 = arith.constant 1 : i32
    %dma_wait3A_14 = tpu.memref_slice %arg6[%mul3A_2] : memref<64000000xf32, #tpu.memory_space<hbm>> -> memref<25000xf32, #tpu.memory_space<hbm>>
    %dma_wait3A_15 = tpu.memref_slice %arg16[%dma_wait3A_13] : memref<4x!tpu.dma_semaphore, #tpu.memory_space<semaphore_mem>> -> memref<1x!tpu.dma_semaphore, #tpu.memory_space<semaphore_mem>>
    %dma_wait3A_16 = tpu.memref_squeeze %dma_wait3A_15 : memref<1x!tpu.dma_semaphore, #tpu.memory_space<semaphore_mem>> -> memref<!tpu.dma_semaphore, #tpu.memory_space<semaphore_mem>>
    %dma_wait3A_17 = tpu.memref_slice %arg6[%mul3A_2] : memref<64000000xf32, #tpu.memory_space<hbm>> -> memref<25000xf32, #tpu.memory_space<hbm>>
    tpu.wait_dma2 semaphore(%dma_wait3A_16 : memref<!tpu.dma_semaphore, #tpu.memory_space<semaphore_mem>>) src(%arg11 : memref<25000xf32, #tpu.memory_space<vmem>>) dst(%dma_wait3A_17 : memref<25000xf32, #tpu.memory_space<hbm>>)
    %dma_wait3A_18 = arith.constant 2 : i32
    %dma_wait3A_19 = tpu.memref_slice %arg6[%mul3A_2] : memref<64000000xf32, #tpu.memory_space<hbm>> -> memref<25000xf32, #tpu.memory_space<hbm>>
    %dma_wait3A_20 = tpu.memref_slice %arg16[%dma_wait3A_18] : memref<4x!tpu.dma_semaphore, #tpu.memory_space<semaphore_mem>> -> memref<1x!tpu.dma_semaphore, #tpu.memory_space<semaphore_mem>>
    %dma_wait3A_21 = tpu.memref_squeeze %dma_wait3A_20 : memref<1x!tpu.dma_semaphore, #tpu.memory_space<semaphore_mem>> -> memref<!tpu.dma_semaphore, #tpu.memory_space<semaphore_mem>>
    %dma_wait3A_22 = tpu.memref_slice %arg6[%mul3A_2] : memref<64000000xf32, #tpu.memory_space<hbm>> -> memref<25000xf32, #tpu.memory_space<hbm>>
    tpu.wait_dma2 semaphore(%dma_wait3A_21 : memref<!tpu.dma_semaphore, #tpu.memory_space<semaphore_mem>>) src(%arg12 : memref<25000xf32, #tpu.memory_space<vmem>>) dst(%dma_wait3A_22 : memref<25000xf32, #tpu.memory_space<hbm>>)
    %dma_wait3A_23 = arith.constant 3 : i32
    %dma_wait3A_24 = tpu.memref_slice %arg6[%mul3A_2] : memref<64000000xf32, #tpu.memory_space<hbm>> -> memref<25000xf32, #tpu.memory_space<hbm>>
    %dma_wait3A_25 = tpu.memref_slice %arg16[%dma_wait3A_23] : memref<4x!tpu.dma_semaphore, #tpu.memory_space<semaphore_mem>> -> memref<1x!tpu.dma_semaphore, #tpu.memory_space<semaphore_mem>>
    %dma_wait3A_26 = tpu.memref_squeeze %dma_wait3A_25 : memref<1x!tpu.dma_semaphore, #tpu.memory_space<semaphore_mem>> -> memref<!tpu.dma_semaphore, #tpu.memory_space<semaphore_mem>>
    %dma_wait3A_27 = tpu.memref_slice %arg6[%mul3A_2] : memref<64000000xf32, #tpu.memory_space<hbm>> -> memref<25000xf32, #tpu.memory_space<hbm>>
    tpu.wait_dma2 semaphore(%dma_wait3A_26 : memref<!tpu.dma_semaphore, #tpu.memory_space<semaphore_mem>>) src(%arg13 : memref<25000xf32, #tpu.memory_space<vmem>>) dst(%dma_wait3A_27 : memref<25000xf32, #tpu.memory_space<hbm>>)
    %barrier3A = arith.constant 0 : index
    tpu.barrier barrier_id(%barrier3A)
    "tpu.region"() ({
      %run_scoped3A = tpu.sem_alloc : memref<!tpu.dma_semaphore, #tpu.memory_space<semaphore_mem>>
      %dma_start3A = arith.constant 0 : i32
      %dma_start3A_116 = tpu.memref_slice %arg5[%add3A, %dma_start3A] : memref<32x16xi32, #tpu.memory_space<hbm>> -> memref<1x16xi32, #tpu.memory_space<hbm>>
      %dma_start3A_117 = tpu.memref_squeeze %dma_start3A_116 : memref<1x16xi32, #tpu.memory_space<hbm>> -> memref<16xi32, #tpu.memory_space<hbm>>
      %dma_start3A_118 = arith.constant 0 : i32
      %dma_start3A_119 = tpu.memref_slice %arg5[%add3A, %dma_start3A_118] : memref<32x16xi32, #tpu.memory_space<hbm>> -> memref<1x16xi32, #tpu.memory_space<hbm>>
      %dma_start3A_120 = tpu.memref_squeeze %dma_start3A_119 : memref<1x16xi32, #tpu.memory_space<hbm>> -> memref<16xi32, #tpu.memory_space<hbm>>
      tpu.enqueue_dma source(%dma_start3A_120 : memref<16xi32, #tpu.memory_space<hbm>>) target(%arg9 : memref<16xi32, #tpu.memory_space<vmem>>) target_semaphore(%run_scoped3A : memref<!tpu.dma_semaphore, #tpu.memory_space<semaphore_mem>>)
      %dma_wait3A_121 = arith.constant 0 : i32
      %dma_wait3A_122 = tpu.memref_slice %arg5[%add3A, %dma_wait3A_121] : memref<32x16xi32, #tpu.memory_space<hbm>> -> memref<1x16xi32, #tpu.memory_space<hbm>>
      %dma_wait3A_123 = tpu.memref_squeeze %dma_wait3A_122 : memref<1x16xi32, #tpu.memory_space<hbm>> -> memref<16xi32, #tpu.memory_space<hbm>>
      %dma_wait3A_124 = arith.constant 0 : i32
      %dma_wait3A_125 = tpu.memref_slice %arg5[%add3A, %dma_wait3A_124] : memref<32x16xi32, #tpu.memory_space<hbm>> -> memref<1x16xi32, #tpu.memory_space<hbm>>
      %dma_wait3A_126 = tpu.memref_squeeze %dma_wait3A_125 : memref<1x16xi32, #tpu.memory_space<hbm>> -> memref<16xi32, #tpu.memory_space<hbm>>
      tpu.wait_dma2 semaphore(%run_scoped3A : memref<!tpu.dma_semaphore, #tpu.memory_space<semaphore_mem>>) src(%dma_wait3A_126 : memref<16xi32, #tpu.memory_space<hbm>>) dst(%arg9 : memref<16xi32, #tpu.memory_space<vmem>>)
      tpu.yield
    }) : () -> ()
    %get3A = arith.constant 0 : index
    %get3A_28 = tpu.vector_load %arg9[%get3A] {strides = array<i32>} : memref<16xi32, #tpu.memory_space<vmem>>, vector<16xi32>,
    %get3A_29 = vector.shape_cast %get3A_28 : vector<16xi32> to vector<16xi32>
    %slice3A = vector.extract_strided_slice %get3A_29 {offsets = [0], sizes = [1], strides = [1]} : vector<16xi32> to vector<1xi32>
    %squeeze3A = vector.extract %slice3A[0] : i32 from vector<1xi32>
    %slice3A_30 = vector.extract_strided_slice %get3A_29 {offsets = [1], sizes = [1], strides = [1]} : vector<16xi32> to vector<1xi32>
    %squeeze3A_31 = vector.extract %slice3A_30[0] : i32 from vector<1xi32>
    %and3A = arith.constant 7 : i32
    %and3A_32 = arith.andi %squeeze3A, %and3A : i32
    %sub3A = arith.subi %squeeze3A, %and3A_32 : i32
    %sub3A_33 = arith.subi %squeeze3A_31, %sub3A : i32
    %add3A_34 = arith.constant 2048 : i32
    %add3A_35 = arith.addi %sub3A_33, %add3A_34 : i32
    %sub3A_36 = arith.constant 1 : i32
    %sub3A_37 = arith.subi %add3A_35, %sub3A_36 : i32
    %shift_right_arithmetic3A = arith.constant 11 : i32
    %shift_right_arithmetic3A_38 = arith.shrsi %sub3A_37, %shift_right_arithmetic3A : i32
    %while3A = arith.constant 0 : i32
    %while3A_39 = arith.subi %shift_right_arithmetic3A_38, %while3A : i32
    %while3A_40 = arith.addi %while3A, %while3A_39 : i32
    %while3A_41 = arith.constant 1 : i32
    %while3A_42 = arith.divsi %while3A_39, %while3A_41 : i32
    %while3A_43 = arith.muli %while3A_42, %while3A_41 : i32
    %while3A_44 = arith.addi %while3A, %while3A_43 : i32
    %while3A_45 = arith.constant 1 : i32
    scf.for %while3A_116 = %while3A to %while3A_44 step %while3A_45  : i32 {
      %mul3A_117 = arith.constant 2048 : i32
      %mul3A_118 = arith.muli %while3A_116, %mul3A_117 : i32
      %add3A_119 = arith.addi %sub3A, %mul3A_118 : i32
      %multiple_of3A = tpu.assume_multiple %add3A_119, 8 : i32
      %dma_start3A = arith.constant 0 : i32
      %dma_start3A_120 = tpu.memref_slice %arg3[%multiple_of3A] : memref<1050624xi32, #tpu.memory_space<hbm>> -> memref<2048xi32, #tpu.memory_space<hbm>>
      %dma_start3A_121 = tpu.memref_slice %arg15[%dma_start3A] : memref<4x!tpu.dma_semaphore, #tpu.memory_space<semaphore_mem>> -> memref<1x!tpu.dma_semaphore, #tpu.memory_space<semaphore_mem>>
      %dma_start3A_122 = tpu.memref_squeeze %dma_start3A_121 : memref<1x!tpu.dma_semaphore, #tpu.memory_space<semaphore_mem>> -> memref<!tpu.dma_semaphore, #tpu.memory_space<semaphore_mem>>
      %dma_start3A_123 = tpu.memref_slice %arg3[%multiple_of3A] : memref<1050624xi32, #tpu.memory_space<hbm>> -> memref<2048xi32, #tpu.memory_space<hbm>>
      tpu.enqueue_dma source(%dma_start3A_123 : memref<2048xi32, #tpu.memory_space<hbm>>) target(%arg7 : memref<2048xi32, #tpu.memory_space<vmem>>) target_semaphore(%dma_start3A_122 : memref<!tpu.dma_semaphore, #tpu.memory_space<semaphore_mem>>)
      %dma_start3A_124 = arith.constant 1 : i32
      %dma_start3A_125 = tpu.memref_slice %arg4[%multiple_of3A] : memref<1050624xf32, #tpu.memory_space<hbm>> -> memref<2048xf32, #tpu.memory_space<hbm>>
      %dma_start3A_126 = tpu.memref_slice %arg15[%dma_start3A_124] : memref<4x!tpu.dma_semaphore, #tpu.memory_space<semaphore_mem>> -> memref<1x!tpu.dma_semaphore, #tpu.memory_space<semaphore_mem>>
      %dma_start3A_127 = tpu.memref_squeeze %dma_start3A_126 : memref<1x!tpu.dma_semaphore, #tpu.memory_space<semaphore_mem>> -> memref<!tpu.dma_semaphore, #tpu.memory_space<semaphore_mem>>
      %dma_start3A_128 = tpu.memref_slice %arg4[%multiple_of3A] : memref<1050624xf32, #tpu.memory_space<hbm>> -> memref<2048xf32, #tpu.memory_space<hbm>>
      tpu.enqueue_dma source(%dma_start3A_128 : memref<2048xf32, #tpu.memory_space<hbm>>) target(%arg8 : memref<2048xf32, #tpu.memory_space<vmem>>) target_semaphore(%dma_start3A_127 : memref<!tpu.dma_semaphore, #tpu.memory_space<semaphore_mem>>)
      %dma_wait3A_129 = arith.constant 0 : i32
      %dma_wait3A_130 = tpu.memref_slice %arg3[%multiple_of3A] : memref<1050624xi32, #tpu.memory_space<hbm>> -> memref<2048xi32, #tpu.memory_space<hbm>>
      %dma_wait3A_131 = tpu.memref_slice %arg15[%dma_wait3A_129] : memref<4x!tpu.dma_semaphore, #tpu.memory_space<semaphore_mem>> -> memref<1x!tpu.dma_semaphore, #tpu.memory_space<semaphore_mem>>
      %dma_wait3A_132 = tpu.memref_squeeze %dma_wait3A_131 : memref<1x!tpu.dma_semaphore, #tpu.memory_space<semaphore_mem>> -> memref<!tpu.dma_semaphore, #tpu.memory_space<semaphore_mem>>
      %dma_wait3A_133 = tpu.memref_slice %arg3[%multiple_of3A] : memref<1050624xi32, #tpu.memory_space<hbm>> -> memref<2048xi32, #tpu.memory_space<hbm>>
      tpu.wait_dma2 semaphore(%dma_wait3A_132 : memref<!tpu.dma_semaphore, #tpu.memory_space<semaphore_mem>>) src(%dma_wait3A_133 : memref<2048xi32, #tpu.memory_space<hbm>>) dst(%arg7 : memref<2048xi32, #tpu.memory_space<vmem>>)
      %dma_wait3A_134 = arith.constant 1 : i32
      %dma_wait3A_135 = tpu.memref_slice %arg4[%multiple_of3A] : memref<1050624xf32, #tpu.memory_space<hbm>> -> memref<2048xf32, #tpu.memory_space<hbm>>
      %dma_wait3A_136 = tpu.memref_slice %arg15[%dma_wait3A_134] : memref<4x!tpu.dma_semaphore, #tpu.memory_space<semaphore_mem>> -> memref<1x!tpu.dma_semaphore, #tpu.memory_space<semaphore_mem>>
      %dma_wait3A_137 = tpu.memref_squeeze %dma_wait3A_136 : memref<1x!tpu.dma_semaphore, #tpu.memory_space<semaphore_mem>> -> memref<!tpu.dma_semaphore, #tpu.memory_space<semaphore_mem>>
      %dma_wait3A_138 = tpu.memref_slice %arg4[%multiple_of3A] : memref<1050624xf32, #tpu.memory_space<hbm>> -> memref<2048xf32, #tpu.memory_space<hbm>>
      tpu.wait_dma2 semaphore(%dma_wait3A_137 : memref<!tpu.dma_semaphore, #tpu.memory_space<semaphore_mem>>) src(%dma_wait3A_138 : memref<2048xf32, #tpu.memory_space<hbm>>) dst(%arg8 : memref<2048xf32, #tpu.memory_space<vmem>>)
      %dma_start3A_139 = arith.constant 0 : i32
      %dma_start3A_140 = tpu.memref_slice %arg6[%dma_start3A_139] : memref<64000000xf32, #tpu.memory_space<hbm>> -> memref<64000000xf32, #tpu.memory_space<hbm>>
      tpu.enqueue_indirect_dma source(%arg8 : memref<2048xf32, #tpu.memory_space<vmem>>) target(%dma_start3A_140 : memref<64000000xf32, #tpu.memory_space<hbm>>) offsets(%arg7 : memref<2048xi32, #tpu.memory_space<vmem>>) semaphore(%arg14 : memref<!tpu.dma_semaphore, #tpu.memory_space<semaphore_mem>>)
      %dma_wait3A_141 = arith.constant 0 : i32
      %dma_wait3A_142 = tpu.memref_slice %arg6[%dma_wait3A_141] : memref<64000000xf32, #tpu.memory_space<hbm>> -> memref<64000000xf32, #tpu.memory_space<hbm>>
      tpu.wait_indirect_dma semaphore(%arg14 : memref<!tpu.dma_semaphore, #tpu.memory_space<semaphore_mem>>) src(%arg8 : memref<2048xf32, #tpu.memory_space<vmem>>) dst(%dma_wait3A_142 : memref<64000000xf32, #tpu.memory_space<hbm>>)
    }
    %while3A_46 = arith.constant 1 : i32
    scf.for %while3A_116 = %while3A_44 to %while3A_40 step %while3A_46  : i32 {
      %mul3A_117 = arith.constant 2048 : i32
      %mul3A_118 = arith.muli %while3A_116, %mul3A_117 : i32
      %add3A_119 = arith.addi %sub3A, %mul3A_118 : i32
      %multiple_of3A = tpu.assume_multiple %add3A_119, 8 : i32
      %dma_start3A = arith.constant 0 : i32
      %dma_start3A_120 = tpu.memref_slice %arg3[%multiple_of3A] : memref<1050624xi32, #tpu.memory_space<hbm>> -> memref<2048xi32, #tpu.memory_space<hbm>>
      %dma_start3A_121 = tpu.memref_slice %arg15[%dma_start3A] : memref<4x!tpu.dma_semaphore, #tpu.memory_space<semaphore_mem>> -> memref<1x!tpu.dma_semaphore, #tpu.memory_space<semaphore_mem>>
      %dma_start3A_122 = tpu.memref_squeeze %dma_start3A_121 : memref<1x!tpu.dma_semaphore, #tpu.memory_space<semaphore_mem>> -> memref<!tpu.dma_semaphore, #tpu.memory_space<semaphore_mem>>
      %dma_start3A_123 = tpu.memref_slice %arg3[%multiple_of3A] : memref<1050624xi32, #tpu.memory_space<hbm>> -> memref<2048xi32, #tpu.memory_space<hbm>>
      tpu.enqueue_dma source(%dma_start3A_123 : memref<2048xi32, #tpu.memory_space<hbm>>) target(%arg7 : memref<2048xi32, #tpu.memory_space<vmem>>) target_semaphore(%dma_start3A_122 : memref<!tpu.dma_semaphore, #tpu.memory_space<semaphore_mem>>)
      %dma_start3A_124 = arith.constant 1 : i32
      %dma_start3A_125 = tpu.memref_slice %arg4[%multiple_of3A] : memref<1050624xf32, #tpu.memory_space<hbm>> -> memref<2048xf32, #tpu.memory_space<hbm>>
      %dma_start3A_126 = tpu.memref_slice %arg15[%dma_start3A_124] : memref<4x!tpu.dma_semaphore, #tpu.memory_space<semaphore_mem>> -> memref<1x!tpu.dma_semaphore, #tpu.memory_space<semaphore_mem>>
      %dma_start3A_127 = tpu.memref_squeeze %dma_start3A_126 : memref<1x!tpu.dma_semaphore, #tpu.memory_space<semaphore_mem>> -> memref<!tpu.dma_semaphore, #tpu.memory_space<semaphore_mem>>
      %dma_start3A_128 = tpu.memref_slice %arg4[%multiple_of3A] : memref<1050624xf32, #tpu.memory_space<hbm>> -> memref<2048xf32, #tpu.memory_space<hbm>>
      tpu.enqueue_dma source(%dma_start3A_128 : memref<2048xf32, #tpu.memory_space<hbm>>) target(%arg8 : memref<2048xf32, #tpu.memory_space<vmem>>) target_semaphore(%dma_start3A_127 : memref<!tpu.dma_semaphore, #tpu.memory_space<semaphore_mem>>)
      %dma_wait3A_129 = arith.constant 0 : i32
      %dma_wait3A_130 = tpu.memref_slice %arg3[%multiple_of3A] : memref<1050624xi32, #tpu.memory_space<hbm>> -> memref<2048xi32, #tpu.memory_space<hbm>>
      %dma_wait3A_131 = tpu.memref_slice %arg15[%dma_wait3A_129] : memref<4x!tpu.dma_semaphore, #tpu.memory_space<semaphore_mem>> -> memref<1x!tpu.dma_semaphore, #tpu.memory_space<semaphore_mem>>
      %dma_wait3A_132 = tpu.memref_squeeze %dma_wait3A_131 : memref<1x!tpu.dma_semaphore, #tpu.memory_space<semaphore_mem>> -> memref<!tpu.dma_semaphore, #tpu.memory_space<semaphore_mem>>
      %dma_wait3A_133 = tpu.memref_slice %arg3[%multiple_of3A] : memref<1050624xi32, #tpu.memory_space<hbm>> -> memref<2048xi32, #tpu.memory_space<hbm>>
      tpu.wait_dma2 semaphore(%dma_wait3A_132 : memref<!tpu.dma_semaphore, #tpu.memory_space<semaphore_mem>>) src(%dma_wait3A_133 : memref<2048xi32, #tpu.memory_space<hbm>>) dst(%arg7 : memref<2048xi32, #tpu.memory_space<vmem>>)
      %dma_wait3A_134 = arith.constant 1 : i32
      %dma_wait3A_135 = tpu.memref_slice %arg4[%multiple_of3A] : memref<1050624xf32, #tpu.memory_space<hbm>> -> memref<2048xf32, #tpu.memory_space<hbm>>
      %dma_wait3A_136 = tpu.memref_slice %arg15[%dma_wait3A_134] : memref<4x!tpu.dma_semaphore, #tpu.memory_space<semaphore_mem>> -> memref<1x!tpu.dma_semaphore, #tpu.memory_space<semaphore_mem>>
      %dma_wait3A_137 = tpu.memref_squeeze %dma_wait3A_136 : memref<1x!tpu.dma_semaphore, #tpu.memory_space<semaphore_mem>> -> memref<!tpu.dma_semaphore, #tpu.memory_space<semaphore_mem>>
      %dma_wait3A_138 = tpu.memref_slice %arg4[%multiple_of3A] : memref<1050624xf32, #tpu.memory_space<hbm>> -> memref<2048xf32, #tpu.memory_space<hbm>>
      tpu.wait_dma2 semaphore(%dma_wait3A_137 : memref<!tpu.dma_semaphore, #tpu.memory_space<semaphore_mem>>) src(%dma_wait3A_138 : memref<2048xf32, #tpu.memory_space<hbm>>) dst(%arg8 : memref<2048xf32, #tpu.memory_space<vmem>>)
      %dma_start3A_139 = arith.constant 0 : i32
      %dma_start3A_140 = tpu.memref_slice %arg6[%dma_start3A_139] : memref<64000000xf32, #tpu.memory_space<hbm>> -> memref<64000000xf32, #tpu.memory_space<hbm>>
      tpu.enqueue_indirect_dma source(%arg8 : memref<2048xf32, #tpu.memory_space<vmem>>) target(%dma_start3A_140 : memref<64000000xf32, #tpu.memory_space<hbm>>) offsets(%arg7 : memref<2048xi32, #tpu.memory_space<vmem>>) semaphore(%arg14 : memref<!tpu.dma_semaphore, #tpu.memory_space<semaphore_mem>>)
      %dma_wait3A_141 = arith.constant 0 : i32
      %dma_wait3A_142 = tpu.memref_slice %arg6[%dma_wait3A_141] : memref<64000000xf32, #tpu.memory_space<hbm>> -> memref<64000000xf32, #tpu.memory_space<hbm>>
      tpu.wait_indirect_dma semaphore(%arg14 : memref<!tpu.dma_semaphore, #tpu.memory_space<semaphore_mem>>) src(%arg8 : memref<2048xf32, #tpu.memory_space<vmem>>) dst(%dma_wait3A_142 : memref<64000000xf32, #tpu.memory_space<hbm>>)
    }
    %slice3A_47 = vector.extract_strided_slice %get3A_29 {offsets = [2], sizes = [1], strides = [1]} : vector<16xi32> to vector<1xi32>
    %squeeze3A_48 = vector.extract %slice3A_47[0] : i32 from vector<1xi32>
    %slice3A_49 = vector.extract_strided_slice %get3A_29 {offsets = [3], sizes = [1], strides = [1]} : vector<16xi32> to vector<1xi32>
    %squeeze3A_50 = vector.extract %slice3A_49[0] : i32 from vector<1xi32>
    %and3A_51 = arith.constant 7 : i32
    %and3A_52 = arith.andi %squeeze3A_48, %and3A_51 : i32
    %sub3A_53 = arith.subi %squeeze3A_48, %and3A_52 : i32
    %sub3A_54 = arith.subi %squeeze3A_50, %sub3A_53 : i32
    %add3A_55 = arith.constant 2048 : i32
    %add3A_56 = arith.addi %sub3A_54, %add3A_55 : i32
    %sub3A_57 = arith.constant 1 : i32
    %sub3A_58 = arith.subi %add3A_56, %sub3A_57 : i32
    %shift_right_arithmetic3A_59 = arith.constant 11 : i32
    %shift_right_arithmetic3A_60 = arith.shrsi %sub3A_58, %shift_right_arithmetic3A_59 : i32
    %while3A_61 = arith.constant 0 : i32
    %while3A_62 = arith.subi %shift_right_arithmetic3A_60, %while3A_61 : i32
    %while3A_63 = arith.addi %while3A_61, %while3A_62 : i32
    %while3A_64 = arith.constant 1 : i32
    %while3A_65 = arith.divsi %while3A_62, %while3A_64 : i32
    %while3A_66 = arith.muli %while3A_65, %while3A_64 : i32
    %while3A_67 = arith.addi %while3A_61, %while3A_66 : i32
    %while3A_68 = arith.constant 1 : i32
    scf.for %while3A_116 = %while3A_61 to %while3A_67 step %while3A_68  : i32 {
      %mul3A_117 = arith.constant 2048 : i32
      %mul3A_118 = arith.muli %while3A_116, %mul3A_117 : i32
      %add3A_119 = arith.addi %sub3A_53, %mul3A_118 : i32
      %multiple_of3A = tpu.assume_multiple %add3A_119, 8 : i32
      %dma_start3A = arith.constant 0 : i32
      %dma_start3A_120 = tpu.memref_slice %arg3[%multiple_of3A] : memref<1050624xi32, #tpu.memory_space<hbm>> -> memref<2048xi32, #tpu.memory_space<hbm>>
      %dma_start3A_121 = tpu.memref_slice %arg15[%dma_start3A] : memref<4x!tpu.dma_semaphore, #tpu.memory_space<semaphore_mem>> -> memref<1x!tpu.dma_semaphore, #tpu.memory_space<semaphore_mem>>
      %dma_start3A_122 = tpu.memref_squeeze %dma_start3A_121 : memref<1x!tpu.dma_semaphore, #tpu.memory_space<semaphore_mem>> -> memref<!tpu.dma_semaphore, #tpu.memory_space<semaphore_mem>>
      %dma_start3A_123 = tpu.memref_slice %arg3[%multiple_of3A] : memref<1050624xi32, #tpu.memory_space<hbm>> -> memref<2048xi32, #tpu.memory_space<hbm>>
      tpu.enqueue_dma source(%dma_start3A_123 : memref<2048xi32, #tpu.memory_space<hbm>>) target(%arg7 : memref<2048xi32, #tpu.memory_space<vmem>>) target_semaphore(%dma_start3A_122 : memref<!tpu.dma_semaphore, #tpu.memory_space<semaphore_mem>>)
      %dma_start3A_124 = arith.constant 1 : i32
      %dma_start3A_125 = tpu.memref_slice %arg4[%multiple_of3A] : memref<1050624xf32, #tpu.memory_space<hbm>> -> memref<2048xf32, #tpu.memory_space<hbm>>
      %dma_start3A_126 = tpu.memref_slice %arg15[%dma_start3A_124] : memref<4x!tpu.dma_semaphore, #tpu.memory_space<semaphore_mem>> -> memref<1x!tpu.dma_semaphore, #tpu.memory_space<semaphore_mem>>
      %dma_start3A_127 = tpu.memref_squeeze %dma_start3A_126 : memref<1x!tpu.dma_semaphore, #tpu.memory_space<semaphore_mem>> -> memref<!tpu.dma_semaphore, #tpu.memory_space<semaphore_mem>>
      %dma_start3A_128 = tpu.memref_slice %arg4[%multiple_of3A] : memref<1050624xf32, #tpu.memory_space<hbm>> -> memref<2048xf32, #tpu.memory_space<hbm>>
      tpu.enqueue_dma source(%dma_start3A_128 : memref<2048xf32, #tpu.memory_space<hbm>>) target(%arg8 : memref<2048xf32, #tpu.memory_space<vmem>>) target_semaphore(%dma_start3A_127 : memref<!tpu.dma_semaphore, #tpu.memory_space<semaphore_mem>>)
      %dma_wait3A_129 = arith.constant 0 : i32
      %dma_wait3A_130 = tpu.memref_slice %arg3[%multiple_of3A] : memref<1050624xi32, #tpu.memory_space<hbm>> -> memref<2048xi32, #tpu.memory_space<hbm>>
      %dma_wait3A_131 = tpu.memref_slice %arg15[%dma_wait3A_129] : memref<4x!tpu.dma_semaphore, #tpu.memory_space<semaphore_mem>> -> memref<1x!tpu.dma_semaphore, #tpu.memory_space<semaphore_mem>>
      %dma_wait3A_132 = tpu.memref_squeeze %dma_wait3A_131 : memref<1x!tpu.dma_semaphore, #tpu.memory_space<semaphore_mem>> -> memref<!tpu.dma_semaphore, #tpu.memory_space<semaphore_mem>>
      %dma_wait3A_133 = tpu.memref_slice %arg3[%multiple_of3A] : memref<1050624xi32, #tpu.memory_space<hbm>> -> memref<2048xi32, #tpu.memory_space<hbm>>
      tpu.wait_dma2 semaphore(%dma_wait3A_132 : memref<!tpu.dma_semaphore, #tpu.memory_space<semaphore_mem>>) src(%dma_wait3A_133 : memref<2048xi32, #tpu.memory_space<hbm>>) dst(%arg7 : memref<2048xi32, #tpu.memory_space<vmem>>)
      %dma_wait3A_134 = arith.constant 1 : i32
      %dma_wait3A_135 = tpu.memref_slice %arg4[%multiple_of3A] : memref<1050624xf32, #tpu.memory_space<hbm>> -> memref<2048xf32, #tpu.memory_space<hbm>>
      %dma_wait3A_136 = tpu.memref_slice %arg15[%dma_wait3A_134] : memref<4x!tpu.dma_semaphore, #tpu.memory_space<semaphore_mem>> -> memref<1x!tpu.dma_semaphore, #tpu.memory_space<semaphore_mem>>
      %dma_wait3A_137 = tpu.memref_squeeze %dma_wait3A_136 : memref<1x!tpu.dma_semaphore, #tpu.memory_space<semaphore_mem>> -> memref<!tpu.dma_semaphore, #tpu.memory_space<semaphore_mem>>
      %dma_wait3A_138 = tpu.memref_slice %arg4[%multiple_of3A] : memref<1050624xf32, #tpu.memory_space<hbm>> -> memref<2048xf32, #tpu.memory_space<hbm>>
      tpu.wait_dma2 semaphore(%dma_wait3A_137 : memref<!tpu.dma_semaphore, #tpu.memory_space<semaphore_mem>>) src(%dma_wait3A_138 : memref<2048xf32, #tpu.memory_space<hbm>>) dst(%arg8 : memref<2048xf32, #tpu.memory_space<vmem>>)
      %dma_start3A_139 = arith.constant 0 : i32
      %dma_start3A_140 = tpu.memref_slice %arg6[%dma_start3A_139] : memref<64000000xf32, #tpu.memory_space<hbm>> -> memref<64000000xf32, #tpu.memory_space<hbm>>
      tpu.enqueue_indirect_dma source(%arg8 : memref<2048xf32, #tpu.memory_space<vmem>>) target(%dma_start3A_140 : memref<64000000xf32, #tpu.memory_space<hbm>>) offsets(%arg7 : memref<2048xi32, #tpu.memory_space<vmem>>) semaphore(%arg14 : memref<!tpu.dma_semaphore, #tpu.memory_space<semaphore_mem>>)
      %dma_wait3A_141 = arith.constant 0 : i32
      %dma_wait3A_142 = tpu.memref_slice %arg6[%dma_wait3A_141] : memref<64000000xf32, #tpu.memory_space<hbm>> -> memref<64000000xf32, #tpu.memory_space<hbm>>
      tpu.wait_indirect_dma semaphore(%arg14 : memref<!tpu.dma_semaphore, #tpu.memory_space<semaphore_mem>>) src(%arg8 : memref<2048xf32, #tpu.memory_space<vmem>>) dst(%dma_wait3A_142 : memref<64000000xf32, #tpu.memory_space<hbm>>)
    }
    %while3A_69 = arith.constant 1 : i32
    scf.for %while3A_116 = %while3A_67 to %while3A_63 step %while3A_69  : i32 {
      %mul3A_117 = arith.constant 2048 : i32
      %mul3A_118 = arith.muli %while3A_116, %mul3A_117 : i32
      %add3A_119 = arith.addi %sub3A_53, %mul3A_118 : i32
      %multiple_of3A = tpu.assume_multiple %add3A_119, 8 : i32
      %dma_start3A = arith.constant 0 : i32
      %dma_start3A_120 = tpu.memref_slice %arg3[%multiple_of3A] : memref<1050624xi32, #tpu.memory_space<hbm>> -> memref<2048xi32, #tpu.memory_space<hbm>>
      %dma_start3A_121 = tpu.memref_slice %arg15[%dma_start3A] : memref<4x!tpu.dma_semaphore, #tpu.memory_space<semaphore_mem>> -> memref<1x!tpu.dma_semaphore, #tpu.memory_space<semaphore_mem>>
      %dma_start3A_122 = tpu.memref_squeeze %dma_start3A_121 : memref<1x!tpu.dma_semaphore, #tpu.memory_space<semaphore_mem>> -> memref<!tpu.dma_semaphore, #tpu.memory_space<semaphore_mem>>
      %dma_start3A_123 = tpu.memref_slice %arg3[%multiple_of3A] : memref<1050624xi32, #tpu.memory_space<hbm>> -> memref<2048xi32, #tpu.memory_space<hbm>>
      tpu.enqueue_dma source(%dma_start3A_123 : memref<2048xi32, #tpu.memory_space<hbm>>) target(%arg7 : memref<2048xi32, #tpu.memory_space<vmem>>) target_semaphore(%dma_start3A_122 : memref<!tpu.dma_semaphore, #tpu.memory_space<semaphore_mem>>)
      %dma_start3A_124 = arith.constant 1 : i32
      %dma_start3A_125 = tpu.memref_slice %arg4[%multiple_of3A] : memref<1050624xf32, #tpu.memory_space<hbm>> -> memref<2048xf32, #tpu.memory_space<hbm>>
      %dma_start3A_126 = tpu.memref_slice %arg15[%dma_start3A_124] : memref<4x!tpu.dma_semaphore, #tpu.memory_space<semaphore_mem>> -> memref<1x!tpu.dma_semaphore, #tpu.memory_space<semaphore_mem>>
      %dma_start3A_127 = tpu.memref_squeeze %dma_start3A_126 : memref<1x!tpu.dma_semaphore, #tpu.memory_space<semaphore_mem>> -> memref<!tpu.dma_semaphore, #tpu.memory_space<semaphore_mem>>
      %dma_start3A_128 = tpu.memref_slice %arg4[%multiple_of3A] : memref<1050624xf32, #tpu.memory_space<hbm>> -> memref<2048xf32, #tpu.memory_space<hbm>>
      tpu.enqueue_dma source(%dma_start3A_128 : memref<2048xf32, #tpu.memory_space<hbm>>) target(%arg8 : memref<2048xf32, #tpu.memory_space<vmem>>) target_semaphore(%dma_start3A_127 : memref<!tpu.dma_semaphore, #tpu.memory_space<semaphore_mem>>)
      %dma_wait3A_129 = arith.constant 0 : i32
      %dma_wait3A_130 = tpu.memref_slice %arg3[%multiple_of3A] : memref<1050624xi32, #tpu.memory_space<hbm>> -> memref<2048xi32, #tpu.memory_space<hbm>>
      %dma_wait3A_131 = tpu.memref_slice %arg15[%dma_wait3A_129] : memref<4x!tpu.dma_semaphore, #tpu.memory_space<semaphore_mem>> -> memref<1x!tpu.dma_semaphore, #tpu.memory_space<semaphore_mem>>
      %dma_wait3A_132 = tpu.memref_squeeze %dma_wait3A_131 : memref<1x!tpu.dma_semaphore, #tpu.memory_space<semaphore_mem>> -> memref<!tpu.dma_semaphore, #tpu.memory_space<semaphore_mem>>
      %dma_wait3A_133 = tpu.memref_slice %arg3[%multiple_of3A] : memref<1050624xi32, #tpu.memory_space<hbm>> -> memref<2048xi32, #tpu.memory_space<hbm>>
      tpu.wait_dma2 semaphore(%dma_wait3A_132 : memref<!tpu.dma_semaphore, #tpu.memory_space<semaphore_mem>>) src(%dma_wait3A_133 : memref<2048xi32, #tpu.memory_space<hbm>>) dst(%arg7 : memref<2048xi32, #tpu.memory_space<vmem>>)
      %dma_wait3A_134 = arith.constant 1 : i32
      %dma_wait3A_135 = tpu.memref_slice %arg4[%multiple_of3A] : memref<1050624xf32, #tpu.memory_space<hbm>> -> memref<2048xf32, #tpu.memory_space<hbm>>
      %dma_wait3A_136 = tpu.memref_slice %arg15[%dma_wait3A_134] : memref<4x!tpu.dma_semaphore, #tpu.memory_space<semaphore_mem>> -> memref<1x!tpu.dma_semaphore, #tpu.memory_space<semaphore_mem>>
      %dma_wait3A_137 = tpu.memref_squeeze %dma_wait3A_136 : memref<1x!tpu.dma_semaphore, #tpu.memory_space<semaphore_mem>> -> memref<!tpu.dma_semaphore, #tpu.memory_space<semaphore_mem>>
      %dma_wait3A_138 = tpu.memref_slice %arg4[%multiple_of3A] : memref<1050624xf32, #tpu.memory_space<hbm>> -> memref<2048xf32, #tpu.memory_space<hbm>>
      tpu.wait_dma2 semaphore(%dma_wait3A_137 : memref<!tpu.dma_semaphore, #tpu.memory_space<semaphore_mem>>) src(%dma_wait3A_138 : memref<2048xf32, #tpu.memory_space<hbm>>) dst(%arg8 : memref<2048xf32, #tpu.memory_space<vmem>>)
      %dma_start3A_139 = arith.constant 0 : i32
      %dma_start3A_140 = tpu.memref_slice %arg6[%dma_start3A_139] : memref<64000000xf32, #tpu.memory_space<hbm>> -> memref<64000000xf32, #tpu.memory_space<hbm>>
      tpu.enqueue_indirect_dma source(%arg8 : memref<2048xf32, #tpu.memory_space<vmem>>) target(%dma_start3A_140 : memref<64000000xf32, #tpu.memory_space<hbm>>) offsets(%arg7 : memref<2048xi32, #tpu.memory_space<vmem>>) semaphore(%arg14 : memref<!tpu.dma_semaphore, #tpu.memory_space<semaphore_mem>>)
      %dma_wait3A_141 = arith.constant 0 : i32
      %dma_wait3A_142 = tpu.memref_slice %arg6[%dma_wait3A_141] : memref<64000000xf32, #tpu.memory_space<hbm>> -> memref<64000000xf32, #tpu.memory_space<hbm>>
      tpu.wait_indirect_dma semaphore(%arg14 : memref<!tpu.dma_semaphore, #tpu.memory_space<semaphore_mem>>) src(%arg8 : memref<2048xf32, #tpu.memory_space<vmem>>) dst(%dma_wait3A_142 : memref<64000000xf32, #tpu.memory_space<hbm>>)
    }
    %slice3A_70 = vector.extract_strided_slice %get3A_29 {offsets = [4], sizes = [1], strides = [1]} : vector<16xi32> to vector<1xi32>
    %squeeze3A_71 = vector.extract %slice3A_70[0] : i32 from vector<1xi32>
    %slice3A_72 = vector.extract_strided_slice %get3A_29 {offsets = [5], sizes = [1], strides = [1]} : vector<16xi32> to vector<1xi32>
    %squeeze3A_73 = vector.extract %slice3A_72[0] : i32 from vector<1xi32>
    %and3A_74 = arith.constant 7 : i32
    %and3A_75 = arith.andi %squeeze3A_71, %and3A_74 : i32
    %sub3A_76 = arith.subi %squeeze3A_71, %and3A_75 : i32
    %sub3A_77 = arith.subi %squeeze3A_73, %sub3A_76 : i32
    %add3A_78 = arith.constant 2048 : i32
    %add3A_79 = arith.addi %sub3A_77, %add3A_78 : i32
    %sub3A_80 = arith.constant 1 : i32
    %sub3A_81 = arith.subi %add3A_79, %sub3A_80 : i32
    %shift_right_arithmetic3A_82 = arith.constant 11 : i32
    %shift_right_arithmetic3A_83 = arith.shrsi %sub3A_81, %shift_right_arithmetic3A_82 : i32
    %while3A_84 = arith.constant 0 : i32
    %while3A_85 = arith.subi %shift_right_arithmetic3A_83, %while3A_84 : i32
    %while3A_86 = arith.addi %while3A_84, %while3A_85 : i32
    %while3A_87 = arith.constant 1 : i32
    %while3A_88 = arith.divsi %while3A_85, %while3A_87 : i32
    %while3A_89 = arith.muli %while3A_88, %while3A_87 : i32
    %while3A_90 = arith.addi %while3A_84, %while3A_89 : i32
    %while3A_91 = arith.constant 1 : i32
    scf.for %while3A_116 = %while3A_84 to %while3A_90 step %while3A_91  : i32 {
      %mul3A_117 = arith.constant 2048 : i32
      %mul3A_118 = arith.muli %while3A_116, %mul3A_117 : i32
      %add3A_119 = arith.addi %sub3A_76, %mul3A_118 : i32
      %multiple_of3A = tpu.assume_multiple %add3A_119, 8 : i32
      %dma_start3A = arith.constant 0 : i32
      %dma_start3A_120 = tpu.memref_slice %arg3[%multiple_of3A] : memref<1050624xi32, #tpu.memory_space<hbm>> -> memref<2048xi32, #tpu.memory_space<hbm>>
      %dma_start3A_121 = tpu.memref_slice %arg15[%dma_start3A] : memref<4x!tpu.dma_semaphore, #tpu.memory_space<semaphore_mem>> -> memref<1x!tpu.dma_semaphore, #tpu.memory_space<semaphore_mem>>
      %dma_start3A_122 = tpu.memref_squeeze %dma_start3A_121 : memref<1x!tpu.dma_semaphore, #tpu.memory_space<semaphore_mem>> -> memref<!tpu.dma_semaphore, #tpu.memory_space<semaphore_mem>>
      %dma_start3A_123 = tpu.memref_slice %arg3[%multiple_of3A] : memref<1050624xi32, #tpu.memory_space<hbm>> -> memref<2048xi32, #tpu.memory_space<hbm>>
      tpu.enqueue_dma source(%dma_start3A_123 : memref<2048xi32, #tpu.memory_space<hbm>>) target(%arg7 : memref<2048xi32, #tpu.memory_space<vmem>>) target_semaphore(%dma_start3A_122 : memref<!tpu.dma_semaphore, #tpu.memory_space<semaphore_mem>>)
      %dma_start3A_124 = arith.constant 1 : i32
      %dma_start3A_125 = tpu.memref_slice %arg4[%multiple_of3A] : memref<1050624xf32, #tpu.memory_space<hbm>> -> memref<2048xf32, #tpu.memory_space<hbm>>
      %dma_start3A_126 = tpu.memref_slice %arg15[%dma_start3A_124] : memref<4x!tpu.dma_semaphore, #tpu.memory_space<semaphore_mem>> -> memref<1x!tpu.dma_semaphore, #tpu.memory_space<semaphore_mem>>
      %dma_start3A_127 = tpu.memref_squeeze %dma_start3A_126 : memref<1x!tpu.dma_semaphore, #tpu.memory_space<semaphore_mem>> -> memref<!tpu.dma_semaphore, #tpu.memory_space<semaphore_mem>>
      %dma_start3A_128 = tpu.memref_slice %arg4[%multiple_of3A] : memref<1050624xf32, #tpu.memory_space<hbm>> -> memref<2048xf32, #tpu.memory_space<hbm>>
      tpu.enqueue_dma source(%dma_start3A_128 : memref<2048xf32, #tpu.memory_space<hbm>>) target(%arg8 : memref<2048xf32, #tpu.memory_space<vmem>>) target_semaphore(%dma_start3A_127 : memref<!tpu.dma_semaphore, #tpu.memory_space<semaphore_mem>>)
      %dma_wait3A_129 = arith.constant 0 : i32
      %dma_wait3A_130 = tpu.memref_slice %arg3[%multiple_of3A] : memref<1050624xi32, #tpu.memory_space<hbm>> -> memref<2048xi32, #tpu.memory_space<hbm>>
      %dma_wait3A_131 = tpu.memref_slice %arg15[%dma_wait3A_129] : memref<4x!tpu.dma_semaphore, #tpu.memory_space<semaphore_mem>> -> memref<1x!tpu.dma_semaphore, #tpu.memory_space<semaphore_mem>>
      %dma_wait3A_132 = tpu.memref_squeeze %dma_wait3A_131 : memref<1x!tpu.dma_semaphore, #tpu.memory_space<semaphore_mem>> -> memref<!tpu.dma_semaphore, #tpu.memory_space<semaphore_mem>>
      %dma_wait3A_133 = tpu.memref_slice %arg3[%multiple_of3A] : memref<1050624xi32, #tpu.memory_space<hbm>> -> memref<2048xi32, #tpu.memory_space<hbm>>
      tpu.wait_dma2 semaphore(%dma_wait3A_132 : memref<!tpu.dma_semaphore, #tpu.memory_space<semaphore_mem>>) src(%dma_wait3A_133 : memref<2048xi32, #tpu.memory_space<hbm>>) dst(%arg7 : memref<2048xi32, #tpu.memory_space<vmem>>)
      %dma_wait3A_134 = arith.constant 1 : i32
      %dma_wait3A_135 = tpu.memref_slice %arg4[%multiple_of3A] : memref<1050624xf32, #tpu.memory_space<hbm>> -> memref<2048xf32, #tpu.memory_space<hbm>>
      %dma_wait3A_136 = tpu.memref_slice %arg15[%dma_wait3A_134] : memref<4x!tpu.dma_semaphore, #tpu.memory_space<semaphore_mem>> -> memref<1x!tpu.dma_semaphore, #tpu.memory_space<semaphore_mem>>
      %dma_wait3A_137 = tpu.memref_squeeze %dma_wait3A_136 : memref<1x!tpu.dma_semaphore, #tpu.memory_space<semaphore_mem>> -> memref<!tpu.dma_semaphore, #tpu.memory_space<semaphore_mem>>
      %dma_wait3A_138 = tpu.memref_slice %arg4[%multiple_of3A] : memref<1050624xf32, #tpu.memory_space<hbm>> -> memref<2048xf32, #tpu.memory_space<hbm>>
      tpu.wait_dma2 semaphore(%dma_wait3A_137 : memref<!tpu.dma_semaphore, #tpu.memory_space<semaphore_mem>>) src(%dma_wait3A_138 : memref<2048xf32, #tpu.memory_space<hbm>>) dst(%arg8 : memref<2048xf32, #tpu.memory_space<vmem>>)
      %dma_start3A_139 = arith.constant 0 : i32
      %dma_start3A_140 = tpu.memref_slice %arg6[%dma_start3A_139] : memref<64000000xf32, #tpu.memory_space<hbm>> -> memref<64000000xf32, #tpu.memory_space<hbm>>
      tpu.enqueue_indirect_dma source(%arg8 : memref<2048xf32, #tpu.memory_space<vmem>>) target(%dma_start3A_140 : memref<64000000xf32, #tpu.memory_space<hbm>>) offsets(%arg7 : memref<2048xi32, #tpu.memory_space<vmem>>) semaphore(%arg14 : memref<!tpu.dma_semaphore, #tpu.memory_space<semaphore_mem>>)
      %dma_wait3A_141 = arith.constant 0 : i32
      %dma_wait3A_142 = tpu.memref_slice %arg6[%dma_wait3A_141] : memref<64000000xf32, #tpu.memory_space<hbm>> -> memref<64000000xf32, #tpu.memory_space<hbm>>
      tpu.wait_indirect_dma semaphore(%arg14 : memref<!tpu.dma_semaphore, #tpu.memory_space<semaphore_mem>>) src(%arg8 : memref<2048xf32, #tpu.memory_space<vmem>>) dst(%dma_wait3A_142 : memref<64000000xf32, #tpu.memory_space<hbm>>)
    }
    %while3A_92 = arith.constant 1 : i32
    scf.for %while3A_116 = %while3A_90 to %while3A_86 step %while3A_92  : i32 {
      %mul3A_117 = arith.constant 2048 : i32
      %mul3A_118 = arith.muli %while3A_116, %mul3A_117 : i32
      %add3A_119 = arith.addi %sub3A_76, %mul3A_118 : i32
      %multiple_of3A = tpu.assume_multiple %add3A_119, 8 : i32
      %dma_start3A = arith.constant 0 : i32
      %dma_start3A_120 = tpu.memref_slice %arg3[%multiple_of3A] : memref<1050624xi32, #tpu.memory_space<hbm>> -> memref<2048xi32, #tpu.memory_space<hbm>>
      %dma_start3A_121 = tpu.memref_slice %arg15[%dma_start3A] : memref<4x!tpu.dma_semaphore, #tpu.memory_space<semaphore_mem>> -> memref<1x!tpu.dma_semaphore, #tpu.memory_space<semaphore_mem>>
      %dma_start3A_122 = tpu.memref_squeeze %dma_start3A_121 : memref<1x!tpu.dma_semaphore, #tpu.memory_space<semaphore_mem>> -> memref<!tpu.dma_semaphore, #tpu.memory_space<semaphore_mem>>
      %dma_start3A_123 = tpu.memref_slice %arg3[%multiple_of3A] : memref<1050624xi32, #tpu.memory_space<hbm>> -> memref<2048xi32, #tpu.memory_space<hbm>>
      tpu.enqueue_dma source(%dma_start3A_123 : memref<2048xi32, #tpu.memory_space<hbm>>) target(%arg7 : memref<2048xi32, #tpu.memory_space<vmem>>) target_semaphore(%dma_start3A_122 : memref<!tpu.dma_semaphore, #tpu.memory_space<semaphore_mem>>)
      %dma_start3A_124 = arith.constant 1 : i32
      %dma_start3A_125 = tpu.memref_slice %arg4[%multiple_of3A] : memref<1050624xf32, #tpu.memory_space<hbm>> -> memref<2048xf32, #tpu.memory_space<hbm>>
      %dma_start3A_126 = tpu.memref_slice %arg15[%dma_start3A_124] : memref<4x!tpu.dma_semaphore, #tpu.memory_space<semaphore_mem>> -> memref<1x!tpu.dma_semaphore, #tpu.memory_space<semaphore_mem>>
      %dma_start3A_127 = tpu.memref_squeeze %dma_start3A_126 : memref<1x!tpu.dma_semaphore, #tpu.memory_space<semaphore_mem>> -> memref<!tpu.dma_semaphore, #tpu.memory_space<semaphore_mem>>
      %dma_start3A_128 = tpu.memref_slice %arg4[%multiple_of3A] : memref<1050624xf32, #tpu.memory_space<hbm>> -> memref<2048xf32, #tpu.memory_space<hbm>>
      tpu.enqueue_dma source(%dma_start3A_128 : memref<2048xf32, #tpu.memory_space<hbm>>) target(%arg8 : memref<2048xf32, #tpu.memory_space<vmem>>) target_semaphore(%dma_start3A_127 : memref<!tpu.dma_semaphore, #tpu.memory_space<semaphore_mem>>)
      %dma_wait3A_129 = arith.constant 0 : i32
      %dma_wait3A_130 = tpu.memref_slice %arg3[%multiple_of3A] : memref<1050624xi32, #tpu.memory_space<hbm>> -> memref<2048xi32, #tpu.memory_space<hbm>>
      %dma_wait3A_131 = tpu.memref_slice %arg15[%dma_wait3A_129] : memref<4x!tpu.dma_semaphore, #tpu.memory_space<semaphore_mem>> -> memref<1x!tpu.dma_semaphore, #tpu.memory_space<semaphore_mem>>
      %dma_wait3A_132 = tpu.memref_squeeze %dma_wait3A_131 : memref<1x!tpu.dma_semaphore, #tpu.memory_space<semaphore_mem>> -> memref<!tpu.dma_semaphore, #tpu.memory_space<semaphore_mem>>
      %dma_wait3A_133 = tpu.memref_slice %arg3[%multiple_of3A] : memref<1050624xi32, #tpu.memory_space<hbm>> -> memref<2048xi32, #tpu.memory_space<hbm>>
      tpu.wait_dma2 semaphore(%dma_wait3A_132 : memref<!tpu.dma_semaphore, #tpu.memory_space<semaphore_mem>>) src(%dma_wait3A_133 : memref<2048xi32, #tpu.memory_space<hbm>>) dst(%arg7 : memref<2048xi32, #tpu.memory_space<vmem>>)
      %dma_wait3A_134 = arith.constant 1 : i32
      %dma_wait3A_135 = tpu.memref_slice %arg4[%multiple_of3A] : memref<1050624xf32, #tpu.memory_space<hbm>> -> memref<2048xf32, #tpu.memory_space<hbm>>
      %dma_wait3A_136 = tpu.memref_slice %arg15[%dma_wait3A_134] : memref<4x!tpu.dma_semaphore, #tpu.memory_space<semaphore_mem>> -> memref<1x!tpu.dma_semaphore, #tpu.memory_space<semaphore_mem>>
      %dma_wait3A_137 = tpu.memref_squeeze %dma_wait3A_136 : memref<1x!tpu.dma_semaphore, #tpu.memory_space<semaphore_mem>> -> memref<!tpu.dma_semaphore, #tpu.memory_space<semaphore_mem>>
      %dma_wait3A_138 = tpu.memref_slice %arg4[%multiple_of3A] : memref<1050624xf32, #tpu.memory_space<hbm>> -> memref<2048xf32, #tpu.memory_space<hbm>>
      tpu.wait_dma2 semaphore(%dma_wait3A_137 : memref<!tpu.dma_semaphore, #tpu.memory_space<semaphore_mem>>) src(%dma_wait3A_138 : memref<2048xf32, #tpu.memory_space<hbm>>) dst(%arg8 : memref<2048xf32, #tpu.memory_space<vmem>>)
      %dma_start3A_139 = arith.constant 0 : i32
      %dma_start3A_140 = tpu.memref_slice %arg6[%dma_start3A_139] : memref<64000000xf32, #tpu.memory_space<hbm>> -> memref<64000000xf32, #tpu.memory_space<hbm>>
      tpu.enqueue_indirect_dma source(%arg8 : memref<2048xf32, #tpu.memory_space<vmem>>) target(%dma_start3A_140 : memref<64000000xf32, #tpu.memory_space<hbm>>) offsets(%arg7 : memref<2048xi32, #tpu.memory_space<vmem>>) semaphore(%arg14 : memref<!tpu.dma_semaphore, #tpu.memory_space<semaphore_mem>>)
      %dma_wait3A_141 = arith.constant 0 : i32
      %dma_wait3A_142 = tpu.memref_slice %arg6[%dma_wait3A_141] : memref<64000000xf32, #tpu.memory_space<hbm>> -> memref<64000000xf32, #tpu.memory_space<hbm>>
      tpu.wait_indirect_dma semaphore(%arg14 : memref<!tpu.dma_semaphore, #tpu.memory_space<semaphore_mem>>) src(%arg8 : memref<2048xf32, #tpu.memory_space<vmem>>) dst(%dma_wait3A_142 : memref<64000000xf32, #tpu.memory_space<hbm>>)
    }
    %slice3A_93 = vector.extract_strided_slice %get3A_29 {offsets = [6], sizes = [1], strides = [1]} : vector<16xi32> to vector<1xi32>
    %squeeze3A_94 = vector.extract %slice3A_93[0] : i32 from vector<1xi32>
    %slice3A_95 = vector.extract_strided_slice %get3A_29 {offsets = [7], sizes = [1], strides = [1]} : vector<16xi32> to vector<1xi32>
    %squeeze3A_96 = vector.extract %slice3A_95[0] : i32 from vector<1xi32>
    %and3A_97 = arith.constant 7 : i32
    %and3A_98 = arith.andi %squeeze3A_94, %and3A_97 : i32
    %sub3A_99 = arith.subi %squeeze3A_94, %and3A_98 : i32
    %sub3A_100 = arith.subi %squeeze3A_96, %sub3A_99 : i32
    %add3A_101 = arith.constant 2048 : i32
    %add3A_102 = arith.addi %sub3A_100, %add3A_101 : i32
    %sub3A_103 = arith.constant 1 : i32
    %sub3A_104 = arith.subi %add3A_102, %sub3A_103 : i32
    %shift_right_arithmetic3A_105 = arith.constant 11 : i32
    %shift_right_arithmetic3A_106 = arith.shrsi %sub3A_104, %shift_right_arithmetic3A_105 : i32
    %while3A_107 = arith.constant 0 : i32
    %while3A_108 = arith.subi %shift_right_arithmetic3A_106, %while3A_107 : i32
    %while3A_109 = arith.addi %while3A_107, %while3A_108 : i32
    %while3A_110 = arith.constant 1 : i32
    %while3A_111 = arith.divsi %while3A_108, %while3A_110 : i32
    %while3A_112 = arith.muli %while3A_111, %while3A_110 : i32
    %while3A_113 = arith.addi %while3A_107, %while3A_112 : i32
    %while3A_114 = arith.constant 1 : i32
    scf.for %while3A_116 = %while3A_107 to %while3A_113 step %while3A_114  : i32 {
      %mul3A_117 = arith.constant 2048 : i32
      %mul3A_118 = arith.muli %while3A_116, %mul3A_117 : i32
      %add3A_119 = arith.addi %sub3A_99, %mul3A_118 : i32
      %multiple_of3A = tpu.assume_multiple %add3A_119, 8 : i32
      %dma_start3A = arith.constant 0 : i32
      %dma_start3A_120 = tpu.memref_slice %arg3[%multiple_of3A] : memref<1050624xi32, #tpu.memory_space<hbm>> -> memref<2048xi32, #tpu.memory_space<hbm>>
      %dma_start3A_121 = tpu.memref_slice %arg15[%dma_start3A] : memref<4x!tpu.dma_semaphore, #tpu.memory_space<semaphore_mem>> -> memref<1x!tpu.dma_semaphore, #tpu.memory_space<semaphore_mem>>
      %dma_start3A_122 = tpu.memref_squeeze %dma_start3A_121 : memref<1x!tpu.dma_semaphore, #tpu.memory_space<semaphore_mem>> -> memref<!tpu.dma_semaphore, #tpu.memory_space<semaphore_mem>>
      %dma_start3A_123 = tpu.memref_slice %arg3[%multiple_of3A] : memref<1050624xi32, #tpu.memory_space<hbm>> -> memref<2048xi32, #tpu.memory_space<hbm>>
      tpu.enqueue_dma source(%dma_start3A_123 : memref<2048xi32, #tpu.memory_space<hbm>>) target(%arg7 : memref<2048xi32, #tpu.memory_space<vmem>>) target_semaphore(%dma_start3A_122 : memref<!tpu.dma_semaphore, #tpu.memory_space<semaphore_mem>>)
      %dma_start3A_124 = arith.constant 1 : i32
      %dma_start3A_125 = tpu.memref_slice %arg4[%multiple_of3A] : memref<1050624xf32, #tpu.memory_space<hbm>> -> memref<2048xf32, #tpu.memory_space<hbm>>
      %dma_start3A_126 = tpu.memref_slice %arg15[%dma_start3A_124] : memref<4x!tpu.dma_semaphore, #tpu.memory_space<semaphore_mem>> -> memref<1x!tpu.dma_semaphore, #tpu.memory_space<semaphore_mem>>
      %dma_start3A_127 = tpu.memref_squeeze %dma_start3A_126 : memref<1x!tpu.dma_semaphore, #tpu.memory_space<semaphore_mem>> -> memref<!tpu.dma_semaphore, #tpu.memory_space<semaphore_mem>>
      %dma_start3A_128 = tpu.memref_slice %arg4[%multiple_of3A] : memref<1050624xf32, #tpu.memory_space<hbm>> -> memref<2048xf32, #tpu.memory_space<hbm>>
      tpu.enqueue_dma source(%dma_start3A_128 : memref<2048xf32, #tpu.memory_space<hbm>>) target(%arg8 : memref<2048xf32, #tpu.memory_space<vmem>>) target_semaphore(%dma_start3A_127 : memref<!tpu.dma_semaphore, #tpu.memory_space<semaphore_mem>>)
      %dma_wait3A_129 = arith.constant 0 : i32
      %dma_wait3A_130 = tpu.memref_slice %arg3[%multiple_of3A] : memref<1050624xi32, #tpu.memory_space<hbm>> -> memref<2048xi32, #tpu.memory_space<hbm>>
      %dma_wait3A_131 = tpu.memref_slice %arg15[%dma_wait3A_129] : memref<4x!tpu.dma_semaphore, #tpu.memory_space<semaphore_mem>> -> memref<1x!tpu.dma_semaphore, #tpu.memory_space<semaphore_mem>>
      %dma_wait3A_132 = tpu.memref_squeeze %dma_wait3A_131 : memref<1x!tpu.dma_semaphore, #tpu.memory_space<semaphore_mem>> -> memref<!tpu.dma_semaphore, #tpu.memory_space<semaphore_mem>>
      %dma_wait3A_133 = tpu.memref_slice %arg3[%multiple_of3A] : memref<1050624xi32, #tpu.memory_space<hbm>> -> memref<2048xi32, #tpu.memory_space<hbm>>
      tpu.wait_dma2 semaphore(%dma_wait3A_132 : memref<!tpu.dma_semaphore, #tpu.memory_space<semaphore_mem>>) src(%dma_wait3A_133 : memref<2048xi32, #tpu.memory_space<hbm>>) dst(%arg7 : memref<2048xi32, #tpu.memory_space<vmem>>)
      %dma_wait3A_134 = arith.constant 1 : i32
      %dma_wait3A_135 = tpu.memref_slice %arg4[%multiple_of3A] : memref<1050624xf32, #tpu.memory_space<hbm>> -> memref<2048xf32, #tpu.memory_space<hbm>>
      %dma_wait3A_136 = tpu.memref_slice %arg15[%dma_wait3A_134] : memref<4x!tpu.dma_semaphore, #tpu.memory_space<semaphore_mem>> -> memref<1x!tpu.dma_semaphore, #tpu.memory_space<semaphore_mem>>
      %dma_wait3A_137 = tpu.memref_squeeze %dma_wait3A_136 : memref<1x!tpu.dma_semaphore, #tpu.memory_space<semaphore_mem>> -> memref<!tpu.dma_semaphore, #tpu.memory_space<semaphore_mem>>
      %dma_wait3A_138 = tpu.memref_slice %arg4[%multiple_of3A] : memref<1050624xf32, #tpu.memory_space<hbm>> -> memref<2048xf32, #tpu.memory_space<hbm>>
      tpu.wait_dma2 semaphore(%dma_wait3A_137 : memref<!tpu.dma_semaphore, #tpu.memory_space<semaphore_mem>>) src(%dma_wait3A_138 : memref<2048xf32, #tpu.memory_space<hbm>>) dst(%arg8 : memref<2048xf32, #tpu.memory_space<vmem>>)
      %dma_start3A_139 = arith.constant 0 : i32
      %dma_start3A_140 = tpu.memref_slice %arg6[%dma_start3A_139] : memref<64000000xf32, #tpu.memory_space<hbm>> -> memref<64000000xf32, #tpu.memory_space<hbm>>
      tpu.enqueue_indirect_dma source(%arg8 : memref<2048xf32, #tpu.memory_space<vmem>>) target(%dma_start3A_140 : memref<64000000xf32, #tpu.memory_space<hbm>>) offsets(%arg7 : memref<2048xi32, #tpu.memory_space<vmem>>) semaphore(%arg14 : memref<!tpu.dma_semaphore, #tpu.memory_space<semaphore_mem>>)
      %dma_wait3A_141 = arith.constant 0 : i32
      %dma_wait3A_142 = tpu.memref_slice %arg6[%dma_wait3A_141] : memref<64000000xf32, #tpu.memory_space<hbm>> -> memref<64000000xf32, #tpu.memory_space<hbm>>
      tpu.wait_indirect_dma semaphore(%arg14 : memref<!tpu.dma_semaphore, #tpu.memory_space<semaphore_mem>>) src(%arg8 : memref<2048xf32, #tpu.memory_space<vmem>>) dst(%dma_wait3A_142 : memref<64000000xf32, #tpu.memory_space<hbm>>)
    }
    %while3A_115 = arith.constant 1 : i32
    scf.for %while3A_116 = %while3A_113 to %while3A_109 step %while3A_115  : i32 {
      %mul3A_117 = arith.constant 2048 : i32
      %mul3A_118 = arith.muli %while3A_116, %mul3A_117 : i32
      %add3A_119 = arith.addi %sub3A_99, %mul3A_118 : i32
      %multiple_of3A = tpu.assume_multiple %add3A_119, 8 : i32
      %dma_start3A = arith.constant 0 : i32
      %dma_start3A_120 = tpu.memref_slice %arg3[%multiple_of3A] : memref<1050624xi32, #tpu.memory_space<hbm>> -> memref<2048xi32, #tpu.memory_space<hbm>>
      %dma_start3A_121 = tpu.memref_slice %arg15[%dma_start3A] : memref<4x!tpu.dma_semaphore, #tpu.memory_space<semaphore_mem>> -> memref<1x!tpu.dma_semaphore, #tpu.memory_space<semaphore_mem>>
      %dma_start3A_122 = tpu.memref_squeeze %dma_start3A_121 : memref<1x!tpu.dma_semaphore, #tpu.memory_space<semaphore_mem>> -> memref<!tpu.dma_semaphore, #tpu.memory_space<semaphore_mem>>
      %dma_start3A_123 = tpu.memref_slice %arg3[%multiple_of3A] : memref<1050624xi32, #tpu.memory_space<hbm>> -> memref<2048xi32, #tpu.memory_space<hbm>>
      tpu.enqueue_dma source(%dma_start3A_123 : memref<2048xi32, #tpu.memory_space<hbm>>) target(%arg7 : memref<2048xi32, #tpu.memory_space<vmem>>) target_semaphore(%dma_start3A_122 : memref<!tpu.dma_semaphore, #tpu.memory_space<semaphore_mem>>)
      %dma_start3A_124 = arith.constant 1 : i32
      %dma_start3A_125 = tpu.memref_slice %arg4[%multiple_of3A] : memref<1050624xf32, #tpu.memory_space<hbm>> -> memref<2048xf32, #tpu.memory_space<hbm>>
      %dma_start3A_126 = tpu.memref_slice %arg15[%dma_start3A_124] : memref<4x!tpu.dma_semaphore, #tpu.memory_space<semaphore_mem>> -> memref<1x!tpu.dma_semaphore, #tpu.memory_space<semaphore_mem>>
      %dma_start3A_127 = tpu.memref_squeeze %dma_start3A_126 : memref<1x!tpu.dma_semaphore, #tpu.memory_space<semaphore_mem>> -> memref<!tpu.dma_semaphore, #tpu.memory_space<semaphore_mem>>
      %dma_start3A_128 = tpu.memref_slice %arg4[%multiple_of3A] : memref<1050624xf32, #tpu.memory_space<hbm>> -> memref<2048xf32, #tpu.memory_space<hbm>>
      tpu.enqueue_dma source(%dma_start3A_128 : memref<2048xf32, #tpu.memory_space<hbm>>) target(%arg8 : memref<2048xf32, #tpu.memory_space<vmem>>) target_semaphore(%dma_start3A_127 : memref<!tpu.dma_semaphore, #tpu.memory_space<semaphore_mem>>)
      %dma_wait3A_129 = arith.constant 0 : i32
      %dma_wait3A_130 = tpu.memref_slice %arg3[%multiple_of3A] : memref<1050624xi32, #tpu.memory_space<hbm>> -> memref<2048xi32, #tpu.memory_space<hbm>>
      %dma_wait3A_131 = tpu.memref_slice %arg15[%dma_wait3A_129] : memref<4x!tpu.dma_semaphore, #tpu.memory_space<semaphore_mem>> -> memref<1x!tpu.dma_semaphore, #tpu.memory_space<semaphore_mem>>
      %dma_wait3A_132 = tpu.memref_squeeze %dma_wait3A_131 : memref<1x!tpu.dma_semaphore, #tpu.memory_space<semaphore_mem>> -> memref<!tpu.dma_semaphore, #tpu.memory_space<semaphore_mem>>
      %dma_wait3A_133 = tpu.memref_slice %arg3[%multiple_of3A] : memref<1050624xi32, #tpu.memory_space<hbm>> -> memref<2048xi32, #tpu.memory_space<hbm>>
      tpu.wait_dma2 semaphore(%dma_wait3A_132 : memref<!tpu.dma_semaphore, #tpu.memory_space<semaphore_mem>>) src(%dma_wait3A_133 : memref<2048xi32, #tpu.memory_space<hbm>>) dst(%arg7 : memref<2048xi32, #tpu.memory_space<vmem>>)
      %dma_wait3A_134 = arith.constant 1 : i32
      %dma_wait3A_135 = tpu.memref_slice %arg4[%multiple_of3A] : memref<1050624xf32, #tpu.memory_space<hbm>> -> memref<2048xf32, #tpu.memory_space<hbm>>
      %dma_wait3A_136 = tpu.memref_slice %arg15[%dma_wait3A_134] : memref<4x!tpu.dma_semaphore, #tpu.memory_space<semaphore_mem>> -> memref<1x!tpu.dma_semaphore, #tpu.memory_space<semaphore_mem>>
      %dma_wait3A_137 = tpu.memref_squeeze %dma_wait3A_136 : memref<1x!tpu.dma_semaphore, #tpu.memory_space<semaphore_mem>> -> memref<!tpu.dma_semaphore, #tpu.memory_space<semaphore_mem>>
      %dma_wait3A_138 = tpu.memref_slice %arg4[%multiple_of3A] : memref<1050624xf32, #tpu.memory_space<hbm>> -> memref<2048xf32, #tpu.memory_space<hbm>>
      tpu.wait_dma2 semaphore(%dma_wait3A_137 : memref<!tpu.dma_semaphore, #tpu.memory_space<semaphore_mem>>) src(%dma_wait3A_138 : memref<2048xf32, #tpu.memory_space<hbm>>) dst(%arg8 : memref<2048xf32, #tpu.memory_space<vmem>>)
      %dma_start3A_139 = arith.constant 0 : i32
      %dma_start3A_140 = tpu.memref_slice %arg6[%dma_start3A_139] : memref<64000000xf32, #tpu.memory_space<hbm>> -> memref<64000000xf32, #tpu.memory_space<hbm>>
      tpu.enqueue_indirect_dma source(%arg8 : memref<2048xf32, #tpu.memory_space<vmem>>) target(%dma_start3A_140 : memref<64000000xf32, #tpu.memory_space<hbm>>) offsets(%arg7 : memref<2048xi32, #tpu.memory_space<vmem>>) semaphore(%arg14 : memref<!tpu.dma_semaphore, #tpu.memory_space<semaphore_mem>>)
      %dma_wait3A_141 = arith.constant 0 : i32
      %dma_wait3A_142 = tpu.memref_slice %arg6[%dma_wait3A_141] : memref<64000000xf32, #tpu.memory_space<hbm>> -> memref<64000000xf32, #tpu.memory_space<hbm>>
      tpu.wait_indirect_dma semaphore(%arg14 : memref<!tpu.dma_semaphore, #tpu.memory_space<semaphore_mem>>) src(%arg8 : memref<2048xf32, #tpu.memory_space<vmem>>) dst(%dma_wait3A_142 : memref<64000000xf32, #tpu.memory_space<hbm>>)
    }
    return
  }
}

</mosaic_0001>

<sc_bundles>
// kernel: _sc_scatter.3.cloned.1.call-start
scs
__scs_entry_jumppad:
0x0: {  	(pc) =	sbr.rel $0x88, $3  }
0x1: {  	(tag) =	ssettag $0x0;
	lr =	simm.s32 $0x1  }
0x2: {  	[smem:$0x3F9D] =	sst lr;
	_ =	strace $0xD0000000  }
0x3: {  	_ = 	snop  }
0x4: {  	_ = 	snop  }
0x5: {  	_ = 	snop  }
0x6: {  	_ = 	snop  }
0x7: {  	_ = 	snop  }
__scs_overlays_trampoline_lowered:
0x8: {  	[smem:$0x3FAC] =	sst s0  }
0x9: {  	[smem:$0x3FAD] =	sst s1  }
0xa: {  	[smem:$0x3FAE] =	sst s2  }
0xb: {  	[smem:$0x3FAF] =	sst s3  }
0xc: {  	[smem:$0x3FB0] =	sst s4  }
0xd: {  	[smem:$0x3FB1] =	sst s5  }
0xe: {  	[smem:$0x3FB2] =	sst s6  }
0xf: {  	[smem:$0x3FB3] =	sst s7  }
0x10: {  	[smem:$0x3FB4] =	sst s8  }
0x11: {  	[smem:$0x3FB5] =	sst s9;
	s0 =	simm.s32 @!p0 $0x0  }
0x12: {  	s1 =	sld [smem:$0x3F9B];
	s0 =	simm.s32 @p0 $0x1  }
0x13: {  	[smem:$0x3FB6] =	sst s0;
	s0 =	simm.s32 @!p1 $0x0  }
0x14: {  	s2 =	sld [smem:$0x3F9A];
	s0 =	simm.s32 @p1 $0x1  }
0x15: {  	[smem:$0x3FB7] =	sst s0;
	s0 =	simm.s32 @!p2 $0x0  }
0x16: {  	s3 =	sld [smem:$0x3FDB];
	s0 =	simm.s32 @p2 $0x1  }
0x17: {  	s4 =	simm.s32 $0x1BF5;
	[smem:$0x3FB9] =	sst s0  }
0x18: {  	s0 =	sld [smem:$0x3F9C];
	_ =	swait.ge [sflag:s4], $0x0  }
0x19: {  	s7 =	sld [smem:$0x3F9D]  }
0x1a: {  	s8 =	sadd.s32 $0xFFFFE003, lr  }
0x1b: {  	s9 =	sadd.s32 $0xFFFFFEF7, lr;
	s5 =	simm.s32 $0xFFFFFFFF;
	p2 =	slt.u32 s8, $0xFFFFF086  }
0x1c: {  	p1 =	slt.u32 s9, $0xF7A;
	s5 =	simm.s32 @!p2 $0x0  }
0x1d: {  	s5 =	simm.s32 @p1 $0x1;
	p0 =	seq.s32 s7, s2  }
0x1e: {  	s7 =	smul.u32 @!p0 $0xF7A, s2;
	p2 =	seq.s32 @!p0 s5, $0x0  }
0x1f: {  	s9 =	smul.u32 $0xF7A, s1;
	s8 =	simm.s32 @!p0 $0x1BF5;
	p2 =	por !p2, p0  }
0x20: {  	[sflag:s8] =	ssyncset.s32 @!p0 $0xFFFFF086;
	s6 =	sadd.s32 @!p0 s3, s7;
	s7 =	simm.s32 @!p0 $0x108  }
0x21: {  	s3 =	sadd.s32 s3, s9;
	s6 =	sadd.s32 @!p0 $0x88, s6;
	s7 =	simm.s32 @p2 $0x1082  }
0x22: {  	[simem:s7], [sflag:s8] =	dma.local @!p0 [hbm:s6], $0xF7A  }
0x23: {  	s9 =	sor.u32 $0xD0000000, s2;
	s6 =	simm.s32 $0x108;
	_ =	swait.ge @!p0 [sflag:s8], $0x0  }
0x24: {  	s3 =	sadd.s32 $0x88, s3;
	s6 =	simm.s32 @!p1 $0x1082;
	[sflag:s4] =	ssyncset.s32 $0xFFFFF086  }
0x25: {  	[simem:s6], [sflag:s4] =	dma.local [hbm:s3], $0xF7A  }
0x26: {  	[smem:$0x3F9D] =	sst s1;
	(tag) =	ssettag s2;
	_ =	strace s9  }
0x27: {  	s1 =	sld [smem:$0x3FAD]  }
0x28: {  	s2 =	sld [smem:$0x3FAE]  }
0x29: {  	s4 =	sld [smem:$0x3FB0]  }
0x2a: {  	p0 =	seq.s32 s5, $0x0;
	s5 =	sld [smem:$0x3FB1]  }
0x2b: {  	s6 =	sld [smem:$0x3FB2]  }
0x2c: {  	s7 =	sld [smem:$0x3FB3]  }
0x2d: {  	s3 =	simm.s32 $0x108;
	s8 =	sld [smem:$0x3FB4]  }
0x2e: {  	s3 =	simm.s32 @!p0 $0x1082;
	s9 =	sld [smem:$0x3FB5]  }
0x2f: {  	lr =	sadd.s32 s0, s3;
	s0 =	sld [smem:$0x3FAC]  }
0x30: {  	s3 =	sld [smem:$0x3FAF]  }
0x31: {  	[smem:$0x3FB8] =	sst s10  }
0x32: {  	s10 =	sld [smem:$0x3FB6];
	_ =	sdelay $0x3  }
0x33: {  	p0 =	seq.s32 s10, $0x1;
	s10 =	sld [smem:$0x3FB8];
	_ =	sdelay $0x3  }
0x34: {  	[smem:$0x3FB8] =	sst s10  }
0x35: {  	s10 =	sld [smem:$0x3FB7];
	_ =	sdelay $0x3  }
0x36: {  	p1 =	seq.s32 s10, $0x1;
	s10 =	sld [smem:$0x3FB8];
	_ =	sdelay $0x3  }
0x37: {  	[smem:$0x3FB8] =	sst s10  }
0x38: {  	s10 =	sld [smem:$0x3FB9]  }
0x39: {  	_ = 	snop;
	(pc) =	sbr.ind lr, $3  }
0x3a: {  	_ = 	snop  }
0x3b: {  	_ = 	snop  }
0x3c: {  	p2 =	seq.s32 s10, $0x1;
	s10 =	sld [smem:$0x3FB8]  }
0x3d: {  	_ =	shalt  }
0x3e: {  	_ =	shalt  }
0x3f: {  	_ =	shalt  }
0x40: {  	_ =	shalt  }
0x41: {  	_ =	shalt  }
0x42: {  	_ =	shalt  }
0x43: {  	_ =	shalt  }
0x44: {  	_ =	shalt  }
0x45: {  	_ =	shalt  }
0x46: {  	_ =	shalt  }
0x47: {  	_ =	shalt  }
0x48: {  	_ =	shalt  }
0x49: {  	_ =	shalt  }
0x4a: {  	_ =	shalt  }
0x4b: {  	_ =	shalt  }
0x4c: {  	_ =	shalt  }
0x4d: {  	_ =	shalt  }
0x4e: {  	_ =	shalt  }
0x4f: {  	_ =	shalt  }
0x50: {  	_ =	shalt  }
0x51: {  	_ =	shalt  }
0x52: {  	_ =	shalt  }
0x53: {  	_ =	shalt  }
0x54: {  	_ =	shalt  }
0x55: {  	_ =	shalt  }
0x56: {  	_ =	shalt  }
0x57: {  	_ =	shalt  }
0x58: {  	_ =	shalt  }
0x59: {  	_ =	shalt  }
0x5a: {  	_ =	shalt  }
0x5b: {  	_ =	shalt  }
0x5c: {  	_ =	shalt  }
0x5d: {  	_ =	shalt  }
0x5e: {  	_ =	shalt  }
0x5f: {  	_ =	shalt  }
0x60: {  	_ =	shalt  }
0x61: {  	_ =	shalt  }
0x62: {  	_ =	shalt  }
0x63: {  	_ =	shalt  }
0x64: {  	_ =	shalt  }
0x65: {  	_ =	shalt  }
0x66: {  	_ =	shalt  }
0x67: {  	_ =	shalt  }
0x68: {  	_ =	shalt  }
0x69: {  	_ =	shalt  }
0x6a: {  	_ =	shalt  }
0x6b: {  	_ =	shalt  }
0x6c: {  	_ =	shalt  }
0x6d: {  	_ =	shalt  }
0x6e: {  	_ =	shalt  }
0x6f: {  	_ =	shalt  }
0x70: {  	_ =	shalt  }
0x71: {  	_ =	shalt  }
0x72: {  	_ =	shalt  }
0x73: {  	_ =	shalt  }
0x74: {  	_ =	shalt  }
0x75: {  	_ =	shalt  }
0x76: {  	_ =	shalt  }
0x77: {  	_ =	shalt  }
0x78: {  	_ =	shalt  }
0x79: {  	_ =	shalt  }
0x7a: {  	_ =	shalt  }
0x7b: {  	_ =	shalt  }
0x7c: {  	_ =	shalt  }
0x7d: {  	_ =	shalt  }
0x7e: {  	_ =	shalt  }
0x7f: {  	_ =	shalt  }
0x80: {  	_ =	shalt  }
0x81: {  	_ =	shalt  }
0x82: {  	_ =	shalt  }
0x83: {  	_ =	shalt  }
0x84: {  	_ =	shalt  }
0x85: {  	_ =	shalt  }
0x86: {  	_ =	shalt  }
0x87: {  	_ =	shalt  }
.Lfunc_end0:
.L_simem_size_0:
called_computation_lowered:
.L_overlay_start_0:
0x88: {  	s2 =	sld [smem:$0x3FD9]  }
0x89: {  	s3 =	sld [smem:$0x3FFE];
	_ =	sdelay $0x1  }
0x8a: {  	s1 =	srdreg.scid  }
0x8b: {  	s0 =	sand.u32 $0x1, s1  }
0x8c: {  	s17 =	sshll.u32 s0, $0xA;
	s2 =	sadd.s32 s3, s2  }
0x8d: {  	s2 =	sadd.s32 s2, s17  }
0x8e: {  	[smem:$0x3FC4] =	sst s2  }
0x8f: {  	_ = 	snop  }
0x90: {  	s2 =	sld [smem:$0x3FC9]  }
0x91: {  	s18 =	sld [smem:$0x3FC8]  }
0x92: {  	s4 =	sld [smem:$0x3FC7]  }
0x93: {  	s5 =	sld [smem:$0x3FD0];
	(tm) =	ssettm $0x1  }
0x94: {  	s6 =	sld [smem:$0x3FFB];
	_ =	sdelay $0x3  }
0x95: {  	_ =	strace s6  }
0x96: {  	s6 =	sld [smem:$0x3FFC];
	_ =	sdelay $0x3  }
0x97: {  	_ =	strace s6  }
0x98: {  	s6 =	sld [smem:$0x3FFD];
	_ =	sdelay $0x3  }
0x99: {  	_ =	strace s6  }
0x9a: {  	_ =	strace $0x8FFFFFFF  }
0x9b: {  	s19 =	sld [smem:$0x3FDB];
	_ =	sdelay $0x1  }
0x9c: {  	s7 =	simm.s32 $_scs_section_size  }
0x9d: {  	s8 =	simm.s32 $_size__tile_overlayer_lowered;
	s9 =	simm.s32 $_tile_overlayer_lowered  }
0x9e: {  	s22 =	simm.s32 $0x1BFF;
	s21 =	sshll.u32 s9, $0x1;
	s6 =	sadd.s32 s7, s19  }
0x9f: {  	s10 =	simm.s32 $0x0;
	s20 =	sshll.u32 s8, $0x1;
	s8 =	sadd.s32 s21, s6  }
0xa0: {  	[timem:s10], [sflag:s22] =	dma.local [hbm:s8], s20  }
0xa1: {  	_ =	swait.ge [sflag:s22], s20  }
0xa2: {  	s7 =	ssub.s32 $0x0, s20;
	[sflag:s22] =	ssyncset.done $0x0  }
0xa3: {  	[sflag:s22] =	ssyncadd.s32 s7;
	_ =	sdelay $0x1  }
0xa4: {  	s23 =	simm.s32 $0x1B8B  }
0xa5: {  	_ =	swait.ge [sflag:s23], $0x1  }
0xa6: {  	[sflag:s23] =	ssyncset.done $0x0  }
0xa7: {  	s25 =	simm.s32 $0x1B8E;
	s24 =	sld [smem:$0x3FFE];
	[sflag:s23] =	ssyncadd.s32 $0xFFFFFFFF  }
0xa8: {  	s26 =	simm.s32 $execute0_lowered;
	[smem:$0x3FD2] =	sst s25  }
0xa9: {  	s8 =	sshll.u32 s26, $0x1;
	_ =	strace $0x80000046;
	[dreg:$0x1] =	wrdreg $0xFFFFFFFF  }
0xaa: {  	s28 =	simm.s32 $_size_execute0_lowered;
	s6 =	sadd.s32 s6, s8;
	[dreg:$0x0] =	wrdreg $0x0  }
0xab: {  	s8 =	sshll.u32 s28, $0x1;
	[dreg:$0x2] =	wrdreg s6  }
0xac: {  	[dreg:$0x3] =	wrdreg s8  }
0xad: {  	[dreg:$0x4] =	wrdreg $0xC0  }
0xae: {  	_ =	task [dreg:s10], $0x5FFFF  }
0xaf: {  	[dreg:$0x1] =	wrdreg $0xFFFFFFFF  }
0xb0: {  	[dreg:$0x0] =	wrdreg $0x60  }
0xb1: {  	[dreg:$0x2] =	wrdreg s2  }
0xb2: {  	[dreg:$0x3] =	wrdreg s18  }
0xb3: {  	[dreg:$0x4] =	wrdreg s4  }
0xb4: {  	[dreg:$0x5] =	wrdreg s24  }
0xb5: {  	[dreg:$0x6] =	wrdreg s5  }
0xb6: {  	[dreg:$0x7] =	wrdreg $0x9  }
0xb7: {  	_ =	task.clear_ibuf [dreg:s10], $0x8FFFF;
	_ =	strace $0x90000046  }
0xb8: {  	s29 =	simm.s32 $0x9;
	_ =	strace $0x80000048  }
0xb9: {  	_ =	swait.ge [sflag:s29], $0x1  }
0xba: {  	[sflag:s29] =	ssyncadd.s32 $0xFFFFFFFF  }
0xbb: {  	_ =	strace $0x90000048  }
0xbc: {  	_ =	sfence  }
0xbd: {  	s30 =	sld [smem:$0x0];
	_ =	sdelay $0x2  }
0xbe: {  	s31 =	sshll.u32 s1, $0xD;
	s1 =	sshrl.u32 s1, $0x2  }
0xbf: {  	s3 =	sand.u32 $0x4000, s31;
	s1 =	sadd.s32 s1, s30  }
0xc0: {  	s0 =	sor.u32 s3, s0;
	s1 =	sshll.u32 s1, $0x11  }
0xc1: {  	s0 =	sor.u32 s1, s0  }
0xc2: {  	s0 =	sadd.s32 $0x8F2B, s0  }
0xc3: {  	[sflag:s0] =	ssyncadd.remote.s32 $0x1  }
0xc4: {  	_ =	sfence.sel $0xFFFF  }
0xc5: {  	[dreg:$0x0] =	wrdreg $0xFFFFFFFF;
	(pc) =	sbr.abs _section_cstart, $3  }
0xc6: {  	[dreg:$0x1] =	wrdreg $0xFFFFFFFF  }
0xc7: {  	_ =	task.clear_ibuf [dreg:s10], $0x2FFFF;
	_ =	strace $0x9FFFFFFF  }
0xc8: {  	(tm) =	ssettm $0x7FFFFFFF  }
0xc9: {  	_ =	shalt  }
tec
execute0_lowered:
.L_overlay_start_1:
0x0: {  	(tag) =	ssettag $0x1  }
0x1: {  	s0 =	rddreg [dreg:$0x0]  }
0x2: {  	s1 =	rddreg [dreg:$0x1]  }
0x3: {  	s2 =	rddreg [dreg:$0x2]  }
0x4: {  	s3 =	rddreg [dreg:$0x3]  }
0x5: {  	s4 =	rddreg [dreg:$0x4];
	s5 =	simm.s32 $0x0;
	s10 =	stileid.u32  }
0x6: {  	s7 =	srdreg.scid;
	s16 =	simm.s32 $0x1080;
	s17 =	simm.s32 $0x7280  }
0x7: {  	s28 =	simm.s32 $0x9;
	s30 =	simm.s32 $0xA;
	s31 =	simm.s32 $0x800  }
0x8: {  	[smem:$0x7FF] =	sst s5;
	s6 =	sshll.u32 s10, $0x4;
	s9 =	sand.u32 $0x1, s7  }
0x9: {  	s7 =	sshll.u32 s7, $0x8;
	s20 =	smul.u32 $0x1E8480, s10;
	s8 =	sand.u32 $0x70, s6  }
0xa: {  	s6 =	sor.u32 s6, s7;
	s18 =	smul.u32 $0x1E84800, s9;
	s19 =	ssub.s32 $0x2, s9  }
0xb: {  	s3 =	sadd.s32 s8, s3;
	s6 =	sand.u32 $0x180, s6;
	s21 =	sshrl.u32 s19, $0x1  }
0xc: {  	_ =	strace $0x80000047;
	s3 =	sadd.s32 s6, s3;
	s22 =	ssub.s32 s19, s21  }
0xd: {  	s23 =	sadd.s32 s20, s18;
	s18 =	simm.s32 $0xD480;
	s19 =	simm.s32 $0x13680  }
0xe: {  	s20 =	simm.s32 $0x2;
	s21 =	simm.s32 $0x3;
	s3 =	sadd.s32 $0x400, s3  }
0xf: {  	s6 =	smax.u32 s22, $0x1;
	s24 =	sshrl.u32 s23, $0x3;
	s7 =	sadd.s32 $0x124F8, s23  }
0x10: {  	s26 =	sadd.s32 $0xC350, s23;
	s22 =	simm.s32 $0x4;
	[dreg:$0x6] =	wrdreg s3  }
0x11: {  	[dreg:$0x7] =	wrdreg s6;
	s8 =	sadd.s32 s24, s4;
	s9 =	sadd.s32 s24, s0  }
.Ltmp0:
0x12: {  	s25 =	sshrl.u32 s7, $0x3;
	s3 =	sadd.s32 $0x61A8, s23;
	(pc) =	sbr.rel .LBB2_1-.Ltmp0, $4  }
0x13: {  	s29 =	sshrl.u32 s26, $0x3;
	s23 =	simm.s32 $0x5;
	s26 =	simm.s32 $0x8  }
0x14: {  	s10 =	sadd.s32 s25, s4;
	s11 =	sadd.s32 s25, s0;
	s3 =	sshrl.u32 s3, $0x3  }
0x15: {  	s12 =	sadd.s32 s29, s4;
	s13 =	sadd.s32 s29, s0;
	s14 =	sadd.s32 s3, s4  }
0x16: {  	s15 =	sadd.s32 s3, s0;
	s0 =	simm.s32 $0x1;
	s3 =	simm.s32 $0x0  }
.LBB2_22:
0x17: {  	s6 =	sadd.s32 s1, s29;
	[sflag:s0] =	ssyncadd.s32 @p0 $0xFFFFF800  }
0x18: {  	[tilespmem:s5], [sflag:$0x2] =	stream.linear.gather [hbm4b:s6+s5], $0x800, $0x38;
	[tilespmem:$0x19880] =	vst v63  }
0x19: {  	s29 =	sadd.s32 s2, s29  }
0x1a: {  	[tilespmem:s31], [sflag:$0x3] =	stream.linear.gather [hbm4b:s29+s5], $0x800, $0x38;
	[tilespmem:$0x19880] =	vst v63  }
0x1b: {  	_ =	swait.ge [sflag:s20], $0x800  }
0x1c: {  	[sflag:s20] =	ssyncset.done $0x0  }
0x1d: {  	[sflag:s20] =	ssyncadd.s32 $0xFFFFF800  }
0x1e: {  	_ =	swait.ge [sflag:s21], $0x800  }
0x1f: {  	[sflag:s21] =	ssyncset.done $0x0  }
0x20: {  	[sflag:s21] =	ssyncadd.s32 $0xFFFFF800  }
0x21: {  	[hbm4b:s4+s31] =	stream.indirect.scatter [tilespmem:s31], [sflag:$0x1], $0x1, s5, s31, $0xb8;
	[tilespmem:$0x19880] =	vst v63  }
0x22: {  	_ =	swait.ge [sflag:s0], $0x800  }
0x23: {  	[sflag:s0] =	ssyncset.done $0x0  }
0x24: {  	[sflag:s0] =	ssyncadd.s32 $0xFFFFF800  }
.LBB2_23:
0x25: {  	s3 =	sadd.s32 $0x1, s3;
	s6 =	rddreg [dreg:$0x7]  }
0x26: {  	p0 =	sne.s32 s3, s6  }
.Ltmp1:
0x27: {  	_ = 	snop;
	(pc) =	sbr.rel @!p0 .LBB2_24-.Ltmp1, $1  }
0x28: {  	_ =	sdelay $0x3  }
.LBB2_1:
0x29: {  	p0 =	por $0x1, $0x1  }
0x2a: {  	s6 =	simm.s32 @!p0 $0x6  }
0x2b: {  	_ =	swait.ge @!p0 [sflag:s6], $0x61A8  }
0x2c: {  	[sflag:s6] =	ssyncset.done @!p0 $0x0  }
0x2d: {  	[sflag:s6] =	ssyncadd.s32 @!p0 $0xFFFF9E58;
	s6 =	simm.s32 @!p0 $0x7  }
0x2e: {  	_ =	swait.ge @!p0 [sflag:s6], $0x61A8  }
0x2f: {  	[sflag:s6] =	ssyncset.done @!p0 $0x0  }
0x30: {  	[sflag:s6] =	ssyncadd.s32 @!p0 $0xFFFF9E58;
	s6 =	simm.s32 @!p0 $0x8  }
0x31: {  	_ =	swait.ge @!p0 [sflag:s6], $0x61A8  }
0x32: {  	[sflag:s6] =	ssyncset.done @!p0 $0x0  }
0x33: {  	[sflag:s6] =	ssyncadd.s32 @!p0 $0xFFFF9E58;
	s6 =	simm.s32 @!p0 $0x9  }
0x34: {  	_ =	swait.ge @!p0 [sflag:s6], $0x61A8  }
0x35: {  	[sflag:s6] =	ssyncset.done @!p0 $0x0  }
0x36: {  	s25 =	sadd.s32 $0x0, s9;
	[sflag:s6] =	ssyncadd.s32 @!p0 $0xFFFF9E58  }
0x37: {  	[tilespmem:s16], [sflag:$0x2] =	stream.linear.gather [hbm4b:s25+s5], $0x61A8, $0x38;
	[tilespmem:$0x19880] =	vst v63  }
0x38: {  	s7 =	sadd.s32 $0x0, s15  }
0x39: {  	[tilespmem:s17], [sflag:$0x3] =	stream.linear.gather [hbm4b:s7+s5], $0x61A8, $0x38;
	[tilespmem:$0x19880] =	vst v63  }
0x3a: {  	s24 =	sadd.s32 $0x0, s13  }
0x3b: {  	[tilespmem:s18], [sflag:$0x4] =	stream.linear.gather [hbm4b:s24+s5], $0x61A8, $0x38;
	[tilespmem:$0x19880] =	vst v63  }
0x3c: {  	s25 =	sadd.s32 $0x0, s11  }
0x3d: {  	[tilespmem:s19], [sflag:$0x5] =	stream.linear.gather [hbm4b:s25+s5], $0x61A8, $0x38;
	[tilespmem:$0x19880] =	vst v63  }
0x3e: {  	_ =	swait.ge [sflag:s20], $0x61A8  }
0x3f: {  	[sflag:s20] =	ssyncset.done $0x0  }
0x40: {  	s7 =	sadd.s32 $0x0, s8;
	[sflag:s20] =	ssyncadd.s32 $0xFFFF9E58  }
0x41: {  	[hbm4b:s7+s5] =	stream.linear.scatter [tilespmem:s16], [sflag:$0x6], $0x61A8, $0x38;
	[tilespmem:$0x19880] =	vst v63  }
0x42: {  	_ =	swait.ge [sflag:s21], $0x61A8  }
0x43: {  	[sflag:s21] =	ssyncset.done $0x0  }
0x44: {  	s24 =	sadd.s32 $0x0, s14;
	[sflag:s21] =	ssyncadd.s32 $0xFFFF9E58  }
0x45: {  	[hbm4b:s24+s5] =	stream.linear.scatter [tilespmem:s17], [sflag:$0x7], $0x61A8, $0x38;
	[tilespmem:$0x19880] =	vst v63  }
0x46: {  	_ =	swait.ge [sflag:s22], $0x61A8  }
0x47: {  	[sflag:s22] =	ssyncset.done $0x0  }
0x48: {  	s25 =	sadd.s32 $0x0, s12;
	[sflag:s22] =	ssyncadd.s32 $0xFFFF9E58  }
0x49: {  	[hbm4b:s25+s5] =	stream.linear.scatter [tilespmem:s18], [sflag:$0x8], $0x61A8, $0x38;
	[tilespmem:$0x19880] =	vst v63  }
0x4a: {  	s29 =	simm.s32 $0x30D4;
	p1 =	por $0x0, $0x0;
	_ =	swait.ge [sflag:s23], $0x61A8  }
0x4b: {  	s6 =	simm.s32 $0x61A8;
	s24 =	sadd.s32 $0x0, s10;
	[sflag:s23] =	ssyncset.done $0x0  }
.LBB2_2:
0x4c: {  	s25 =	simm.s32 @!p1 $0x6;
	[sflag:s23] =	ssyncadd.s32 $0xFFFF9E58  }
0x4d: {  	s7 =	smov.u32 s29;
	s29 =	smov.u32 s6;
	s6 =	sadd.s32 $0x30D4, s6  }
0x4e: {  	[hbm4b:s24+s5] =	stream.linear.scatter [tilespmem:s19], [sflag:$0x9], $0x61A8, $0x38;
	[tilespmem:$0x19880] =	vst v63  }
0x4f: {  	p0 =	sne.s32 s6, $0x3D090;
	_ =	swait.ge @!p1 [sflag:s25], $0x61A8  }
0x50: {  	[sflag:s25] =	ssyncset.done @!p1 $0x0  }
0x51: {  	s24 =	simm.s32 @!p1 $0x7;
	[sflag:s25] =	ssyncadd.s32 @!p1 $0xFFFF9E58  }
0x52: {  	_ =	swait.ge @!p1 [sflag:s24], $0x61A8  }
0x53: {  	[sflag:s24] =	ssyncset.done @!p1 $0x0  }
0x54: {  	[sflag:s24] =	ssyncadd.s32 @!p1 $0xFFFF9E58;
	s24 =	simm.s32 @!p1 $0x8  }
0x55: {  	_ =	swait.ge @!p1 [sflag:s24], $0x61A8  }
0x56: {  	[sflag:s24] =	ssyncset.done @!p1 $0x0  }
0x57: {  	[sflag:s24] =	ssyncadd.s32 @!p1 $0xFFFF9E58;
	s24 =	simm.s32 @!p1 $0x9  }
0x58: {  	_ =	swait.ge @!p1 [sflag:s24], $0x61A8  }
0x59: {  	[sflag:s24] =	ssyncset.done @!p1 $0x0  }
0x5a: {  	[sflag:s24] =	ssyncadd.s32 @!p1 $0xFFFF9E58;
	s24 =	sadd.s32 s7, s9  }
0x5b: {  	[tilespmem:s16], [sflag:$0x2] =	stream.linear.gather [hbm4b:s24+s5], $0x61A8, $0x38;
	[tilespmem:$0x19880] =	vst v63  }
0x5c: {  	s24 =	sadd.s32 s7, s15  }
0x5d: {  	[tilespmem:s17], [sflag:$0x3] =	stream.linear.gather [hbm4b:s24+s5], $0x61A8, $0x38;
	[tilespmem:$0x19880] =	vst v63  }
0x5e: {  	s24 =	sadd.s32 s7, s13  }
0x5f: {  	[tilespmem:s18], [sflag:$0x4] =	stream.linear.gather [hbm4b:s24+s5], $0x61A8, $0x38;
	[tilespmem:$0x19880] =	vst v63  }
0x60: {  	s24 =	sadd.s32 s7, s11  }
0x61: {  	[tilespmem:s19], [sflag:$0x5] =	stream.linear.gather [hbm4b:s24+s5], $0x61A8, $0x38;
	[tilespmem:$0x19880] =	vst v63  }
0x62: {  	_ =	swait.ge [sflag:s20], $0x61A8  }
0x63: {  	[sflag:s20] =	ssyncset.done $0x0  }
0x64: {  	s24 =	sadd.s32 s7, s8;
	[sflag:s20] =	ssyncadd.s32 $0xFFFF9E58  }
0x65: {  	[hbm4b:s24+s5] =	stream.linear.scatter [tilespmem:s16], [sflag:$0x6], $0x61A8, $0x38;
	[tilespmem:$0x19880] =	vst v63  }
0x66: {  	_ =	swait.ge [sflag:s21], $0x61A8  }
0x67: {  	[sflag:s21] =	ssyncset.done $0x0  }
0x68: {  	s24 =	sadd.s32 s7, s14;
	[sflag:s21] =	ssyncadd.s32 $0xFFFF9E58  }
0x69: {  	[hbm4b:s24+s5] =	stream.linear.scatter [tilespmem:s17], [sflag:$0x7], $0x61A8, $0x38;
	[tilespmem:$0x19880] =	vst v63  }
0x6a: {  	_ =	swait.ge [sflag:s22], $0x61A8  }
.Ltmp2:
0x6b: {  	[sflag:s22] =	ssyncset.done $0x0;
	(pc) =	sbr.rel @p0 .LBB2_2-.Ltmp2, $4  }
0x6c: {  	s24 =	sadd.s32 s7, s12;
	[sflag:s22] =	ssyncadd.s32 $0xFFFF9E58  }
0x6d: {  	[hbm4b:s24+s5] =	stream.linear.scatter [tilespmem:s18], [sflag:$0x8], $0x61A8, $0x38;
	[tilespmem:$0x19880] =	vst v63  }
0x6e: {  	_ =	swait.ge [sflag:s23], $0x61A8  }
0x6f: {  	p1 =	seq.s32 s29, $0x0;
	s24 =	sadd.s32 s7, s10;
	[sflag:s23] =	ssyncset.done $0x0  }
0x70: {  	s6 =	simm.s32 @!p1 $0x6;
	[sflag:s23] =	ssyncadd.s32 $0xFFFF9E58  }
0x71: {  	[hbm4b:s24+s5] =	stream.linear.scatter [tilespmem:s19], [sflag:$0x9], $0x61A8, $0x38;
	[tilespmem:$0x19880] =	vst v63  }
0x72: {  	_ =	swait.ge @!p1 [sflag:s6], $0x61A8  }
0x73: {  	[sflag:s6] =	ssyncset.done @!p1 $0x0  }
0x74: {  	[sflag:s6] =	ssyncadd.s32 @!p1 $0xFFFF9E58;
	s6 =	simm.s32 @!p1 $0x7  }
0x75: {  	_ =	swait.ge @!p1 [sflag:s6], $0x61A8  }
0x76: {  	[sflag:s6] =	ssyncset.done @!p1 $0x0  }
0x77: {  	[sflag:s6] =	ssyncadd.s32 @!p1 $0xFFFF9E58;
	s6 =	simm.s32 @!p1 $0x8  }
0x78: {  	_ =	swait.ge @!p1 [sflag:s6], $0x61A8  }
0x79: {  	[sflag:s6] =	ssyncset.done @!p1 $0x0  }
0x7a: {  	[sflag:s6] =	ssyncadd.s32 @!p1 $0xFFFF9E58;
	s6 =	simm.s32 @!p1 $0x9  }
0x7b: {  	_ =	swait.ge @!p1 [sflag:s6], $0x61A8  }
0x7c: {  	[sflag:s6] =	ssyncset.done @!p1 $0x0  }
0x7d: {  	s24 =	sadd.s32 s29, s9;
	[sflag:s6] =	ssyncadd.s32 @!p1 $0xFFFF9E58  }
0x7e: {  	[tilespmem:s16], [sflag:$0x2] =	stream.linear.gather [hbm4b:s24+s5], $0x61A8, $0x38;
	[tilespmem:$0x19880] =	vst v63  }
0x7f: {  	s25 =	sadd.s32 s29, s15  }
0x80: {  	[tilespmem:s17], [sflag:$0x3] =	stream.linear.gather [hbm4b:s25+s5], $0x61A8, $0x38;
	[tilespmem:$0x19880] =	vst v63  }
0x81: {  	s7 =	sadd.s32 s29, s13  }
0x82: {  	[tilespmem:s18], [sflag:$0x4] =	stream.linear.gather [hbm4b:s7+s5], $0x61A8, $0x38;
	[tilespmem:$0x19880] =	vst v63  }
0x83: {  	s24 =	sadd.s32 s29, s11  }
0x84: {  	[tilespmem:s19], [sflag:$0x5] =	stream.linear.gather [hbm4b:s24+s5], $0x61A8, $0x38;
	[tilespmem:$0x19880] =	vst v63  }
0x85: {  	_ =	swait.ge [sflag:s20], $0x61A8  }
0x86: {  	[sflag:s20] =	ssyncset.done $0x0  }
0x87: {  	s25 =	sadd.s32 s29, s8;
	[sflag:s20] =	ssyncadd.s32 $0xFFFF9E58  }
0x88: {  	[hbm4b:s25+s5] =	stream.linear.scatter [tilespmem:s16], [sflag:$0x6], $0x61A8, $0x38;
	[tilespmem:$0x19880] =	vst v63  }
0x89: {  	_ =	swait.ge [sflag:s21], $0x61A8  }
0x8a: {  	[sflag:s21] =	ssyncset.done $0x0  }
0x8b: {  	s7 =	sadd.s32 s29, s14;
	[sflag:s21] =	ssyncadd.s32 $0xFFFF9E58  }
0x8c: {  	[hbm4b:s7+s5] =	stream.linear.scatter [tilespmem:s17], [sflag:$0x7], $0x61A8, $0x38;
	[tilespmem:$0x19880] =	vst v63  }
0x8d: {  	_ =	swait.ge [sflag:s22], $0x61A8  }
0x8e: {  	[sflag:s22] =	ssyncset.done $0x0  }
0x8f: {  	s24 =	sadd.s32 s29, s12;
	[sflag:s22] =	ssyncadd.s32 $0xFFFF9E58  }
0x90: {  	[hbm4b:s24+s5] =	stream.linear.scatter [tilespmem:s18], [sflag:$0x8], $0x61A8, $0x38;
	[tilespmem:$0x19880] =	vst v63  }
0x91: {  	_ =	swait.ge [sflag:s23], $0x61A8  }
0x92: {  	[sflag:s23] =	ssyncset.done $0x0  }
0x93: {  	s25 =	sadd.s32 s29, s10;
	s29 =	simm.s32 $0x6;
	[sflag:s23] =	ssyncadd.s32 $0xFFFF9E58  }
0x94: {  	[hbm4b:s25+s5] =	stream.linear.scatter [tilespmem:s19], [sflag:$0x9], $0x61A8, $0x38;
	[tilespmem:$0x19880] =	vst v63  }
0x95: {  	_ =	swait.ge [sflag:s29], $0x61A8  }
0x96: {  	[sflag:s29] =	ssyncset.done $0x0  }
0x97: {  	s7 =	simm.s32 $0x7;
	[sflag:s29] =	ssyncadd.s32 $0xFFFF9E58  }
0x98: {  	_ =	swait.ge [sflag:s7], $0x61A8  }
0x99: {  	[sflag:s7] =	ssyncset.done $0x0  }
0x9a: {  	[sflag:s7] =	ssyncadd.s32 $0xFFFF9E58  }
0x9b: {  	_ =	swait.ge [sflag:s26], $0x61A8  }
0x9c: {  	[sflag:s26] =	ssyncset.done $0x0  }
0x9d: {  	[sflag:s26] =	ssyncadd.s32 $0xFFFF9E58  }
0x9e: {  	_ =	swait.ge [sflag:s28], $0x61A8  }
0x9f: {  	[sflag:s28] =	ssyncset.done $0x0  }
0xa0: {  	[sflag:s28] =	ssyncadd.s32 $0xFFFF9E58  }
0xa1: {  	[bflag:$0x0] =	sbarrier.arrive $0xFFFF  }
0xa2: {  	s7 =	simm.s32 $0x1000;
	s24 =	rddreg [dreg:$0x6]  }
0xa3: {  	[tilespmem:s7], [sflag:$0xA] =	stream.linear.gather [hbm4b:s24+s5], $0x80, $0x38;
	[tilespmem:$0x19880] =	vst v63  }
0xa4: {  	_ =	swait.ge [sflag:s30], $0x80  }
0xa5: {  	[sflag:s30] =	ssyncset.done $0x0  }
0xa6: {  	[sflag:s30] =	ssyncadd.s32 $0xFFFFFF80  }
0xa7: {  	v0 =	vld [tilespmem:$0x1000];
	_ =	sdelay $0x4  }
0xa8: {  	(v2sf) =	vpush v0, $0x0  }
0xa9: {  	(v2sf) =	vpush v0, $0x1;
	_ =	sdelay $0xd  }
0xaa: {  	s7 =	spop (v2sf)  }
0xab: {  	s25 =	spop (v2sf);
	s29 =	sand.u32 $0xFFFFFFF8, s7  }
0xac: {  	s6 =	ssub.s32 s25, s29  }
0xad: {  	s6 =	sadd.s32 $0x7FF, s6  }
0xae: {  	s6 =	sshra.s32 s6, $0xB  }
0xaf: {  	p0 =	slt.s32 s6, $0x1  }
.Ltmp3:
0xb0: {  	_ = 	snop;
	(pc) =	sbr.rel @p0 .LBB2_8-.Ltmp3, $1  }
0xb1: {  	_ =	sdelay $0x3  }
0xb2: {  	p1 =	sne.s32 s6, $0x1  }
.Ltmp4:
0xb3: {  	_ = 	snop;
	(pc) =	sbr.rel @!p1 .LBB2_7-.Ltmp4, $2  }
0xb4: {  	_ =	sdelay $0x2  }
0xb5: {  	s6 =	sadd.s32 $0xFFFFFFFF, s6;
	s29 =	sshrl.u32 s7, $0x3;
	p0 =	por $0x0, $0x0  }
0xb6: {  	s24 =	sadd.s32 s1, s29  }
0xb7: {  	[tilespmem:s5], [sflag:$0x2] =	stream.linear.gather [hbm4b:s24+s5], $0x800, $0x38;
	[tilespmem:$0x19880] =	vst v63  }
0xb8: {  	s25 =	sadd.s32 s2, s29  }
0xb9: {  	[tilespmem:s31], [sflag:$0x3] =	stream.linear.gather [hbm4b:s25+s5], $0x800, $0x38;
	[tilespmem:$0x19880] =	vst v63  }
0xba: {  	_ =	swait.ge [sflag:s20], $0x800  }
0xbb: {  	[sflag:s20] =	ssyncset.done $0x0  }
0xbc: {  	[sflag:s20] =	ssyncadd.s32 $0xFFFFF800  }
0xbd: {  	p1 =	sne.s32 s6, $0x1;
	_ =	swait.ge [sflag:s21], $0x800  }
.Ltmp5:
0xbe: {  	[sflag:s21] =	ssyncset.done $0x0;
	(pc) =	sbr.rel @!p1 .LBB2_7-.Ltmp5, $4  }
0xbf: {  	[sflag:s21] =	ssyncadd.s32 $0xFFFFF800  }
0xc0: {  	[hbm4b:s4+s31] =	stream.indirect.scatter [tilespmem:s31], [sflag:$0x1], $0x1, s5, s31, $0xb8;
	[tilespmem:$0x19880] =	vst v63  }
0xc1: {  	s6 =	sadd.s32 $0xFFFFFFFF, s6;
	s7 =	sadd.s32 $0x800, s7;
	_ =	swait.ge [sflag:s0], $0x800  }
0xc2: {  	p0 =	por $0x1, $0x1;
	s29 =	sshrl.u32 s7, $0x3;
	[sflag:s0] =	ssyncset.done $0x0  }
.LBB2_6:
0xc3: {  	p1 =	sne.s32 s6, $0x1;
	s24 =	sadd.s32 s1, s29;
	[sflag:s0] =	ssyncadd.s32 $0xFFFFF800  }
0xc4: {  	[tilespmem:s5], [sflag:$0x2] =	stream.linear.gather [hbm4b:s24+s5], $0x800, $0x38;
	[tilespmem:$0x19880] =	vst v63  }
0xc5: {  	s6 =	sadd.s32 $0xFFFFFFFF, s6;
	s24 =	sadd.s32 s2, s29  }
0xc6: {  	[tilespmem:s31], [sflag:$0x3] =	stream.linear.gather [hbm4b:s24+s5], $0x800, $0x38;
	[tilespmem:$0x19880] =	vst v63  }
0xc7: {  	_ =	swait.ge [sflag:s20], $0x800  }
0xc8: {  	[sflag:s20] =	ssyncset.done $0x0  }
0xc9: {  	[sflag:s20] =	ssyncadd.s32 $0xFFFFF800  }
0xca: {  	_ =	swait.ge [sflag:s21], $0x800  }
.Ltmp6:
0xcb: {  	[sflag:s21] =	ssyncset.done $0x0;
	(pc) =	sbr.rel @p1 .LBB2_6-.Ltmp6, $4  }
0xcc: {  	[sflag:s21] =	ssyncadd.s32 $0xFFFFF800  }
0xcd: {  	[hbm4b:s4+s31] =	stream.indirect.scatter [tilespmem:s31], [sflag:$0x1], $0x1, s5, s31, $0xb8;
	[tilespmem:$0x19880] =	vst v63  }
0xce: {  	s7 =	sadd.s32 $0x800, s7;
	_ =	swait.ge [sflag:s0], $0x800  }
0xcf: {  	s29 =	sshrl.u32 s7, $0x3;
	[sflag:s0] =	ssyncset.done $0x0  }
.LBB2_7:
0xd0: {  	s6 =	sadd.s32 s1, s29;
	[sflag:s0] =	ssyncadd.s32 @p0 $0xFFFFF800  }
0xd1: {  	[tilespmem:s5], [sflag:$0x2] =	stream.linear.gather [hbm4b:s6+s5], $0x800, $0x38;
	[tilespmem:$0x19880] =	vst v63  }
0xd2: {  	s29 =	sadd.s32 s2, s29  }
0xd3: {  	[tilespmem:s31], [sflag:$0x3] =	stream.linear.gather [hbm4b:s29+s5], $0x800, $0x38;
	[tilespmem:$0x19880] =	vst v63  }
0xd4: {  	_ =	swait.ge [sflag:s20], $0x800  }
0xd5: {  	[sflag:s20] =	ssyncset.done $0x0  }
0xd6: {  	[sflag:s20] =	ssyncadd.s32 $0xFFFFF800  }
0xd7: {  	_ =	swait.ge [sflag:s21], $0x800  }
0xd8: {  	[sflag:s21] =	ssyncset.done $0x0  }
0xd9: {  	[sflag:s21] =	ssyncadd.s32 $0xFFFFF800  }
0xda: {  	[hbm4b:s4+s31] =	stream.indirect.scatter [tilespmem:s31], [sflag:$0x1], $0x1, s5, s31, $0xb8;
	[tilespmem:$0x19880] =	vst v63  }
0xdb: {  	_ =	swait.ge [sflag:s0], $0x800  }
0xdc: {  	[sflag:s0] =	ssyncset.done $0x0  }
0xdd: {  	[sflag:s0] =	ssyncadd.s32 $0xFFFFF800  }
.LBB2_8:
0xde: {  	(v2sf) =	vpush v0, $0x2  }
0xdf: {  	(v2sf) =	vpush v0, $0x3;
	_ =	sdelay $0xd  }
0xe0: {  	s7 =	spop (v2sf)  }
0xe1: {  	s6 =	spop (v2sf);
	s24 =	sand.u32 $0xFFFFFFF8, s7  }
0xe2: {  	s6 =	ssub.s32 s6, s24  }
0xe3: {  	s6 =	sadd.s32 $0x7FF, s6  }
0xe4: {  	s6 =	sshra.s32 s6, $0xB  }
0xe5: {  	p0 =	slt.s32 s6, $0x1  }
.Ltmp7:
0xe6: {  	_ = 	snop;
	(pc) =	sbr.rel @p0 .LBB2_13-.Ltmp7, $1  }
0xe7: {  	_ =	sdelay $0x3  }
0xe8: {  	p1 =	sne.s32 s6, $0x1  }
.Ltmp8:
0xe9: {  	_ = 	snop;
	(pc) =	sbr.rel @!p1 .LBB2_12-.Ltmp8, $2  }
0xea: {  	_ =	sdelay $0x2  }
0xeb: {  	s6 =	sadd.s32 $0xFFFFFFFF, s6;
	s29 =	sshrl.u32 s7, $0x3;
	p0 =	por $0x0, $0x0  }
0xec: {  	s24 =	sadd.s32 s1, s29  }
0xed: {  	[tilespmem:s5], [sflag:$0x2] =	stream.linear.gather [hbm4b:s24+s5], $0x800, $0x38;
	[tilespmem:$0x19880] =	vst v63  }
0xee: {  	s25 =	sadd.s32 s2, s29  }
0xef: {  	[tilespmem:s31], [sflag:$0x3] =	stream.linear.gather [hbm4b:s25+s5], $0x800, $0x38;
	[tilespmem:$0x19880] =	vst v63  }
0xf0: {  	_ =	swait.ge [sflag:s20], $0x800  }
0xf1: {  	[sflag:s20] =	ssyncset.done $0x0  }
0xf2: {  	[sflag:s20] =	ssyncadd.s32 $0xFFFFF800  }
0xf3: {  	p1 =	sne.s32 s6, $0x1;
	_ =	swait.ge [sflag:s21], $0x800  }
.Ltmp9:
0xf4: {  	[sflag:s21] =	ssyncset.done $0x0;
	(pc) =	sbr.rel @!p1 .LBB2_12-.Ltmp9, $4  }
0xf5: {  	[sflag:s21] =	ssyncadd.s32 $0xFFFFF800  }
0xf6: {  	[hbm4b:s4+s31] =	stream.indirect.scatter [tilespmem:s31], [sflag:$0x1], $0x1, s5, s31, $0xb8;
	[tilespmem:$0x19880] =	vst v63  }
0xf7: {  	s6 =	sadd.s32 $0xFFFFFFFF, s6;
	s7 =	sadd.s32 $0x800, s7;
	_ =	swait.ge [sflag:s0], $0x800  }
0xf8: {  	p0 =	por $0x1, $0x1;
	s29 =	sshrl.u32 s7, $0x3;
	[sflag:s0] =	ssyncset.done $0x0  }
.LBB2_11:
0xf9: {  	p1 =	sne.s32 s6, $0x1;
	s24 =	sadd.s32 s1, s29;
	[sflag:s0] =	ssyncadd.s32 $0xFFFFF800  }
0xfa: {  	[tilespmem:s5], [sflag:$0x2] =	stream.linear.gather [hbm4b:s24+s5], $0x800, $0x38;
	[tilespmem:$0x19880] =	vst v63  }
0xfb: {  	s6 =	sadd.s32 $0xFFFFFFFF, s6;
	s24 =	sadd.s32 s2, s29  }
0xfc: {  	[tilespmem:s31], [sflag:$0x3] =	stream.linear.gather [hbm4b:s24+s5], $0x800, $0x38;
	[tilespmem:$0x19880] =	vst v63  }
0xfd: {  	_ =	swait.ge [sflag:s20], $0x800  }
0xfe: {  	[sflag:s20] =	ssyncset.done $0x0  }
0xff: {  	[sflag:s20] =	ssyncadd.s32 $0xFFFFF800  }
0x100: {  	_ =	swait.ge [sflag:s21], $0x800  }
.Ltmp10:
0x101: {  	[sflag:s21] =	ssyncset.done $0x0;
	(pc) =	sbr.rel @p1 .LBB2_11-.Ltmp10, $4  }
0x102: {  	[sflag:s21] =	ssyncadd.s32 $0xFFFFF800  }
0x103: {  	[hbm4b:s4+s31] =	stream.indirect.scatter [tilespmem:s31], [sflag:$0x1], $0x1, s5, s31, $0xb8;
	[tilespmem:$0x19880] =	vst v63  }
0x104: {  	s7 =	sadd.s32 $0x800, s7;
	_ =	swait.ge [sflag:s0], $0x800  }
0x105: {  	s29 =	sshrl.u32 s7, $0x3;
	[sflag:s0] =	ssyncset.done $0x0  }
.LBB2_12:
0x106: {  	s6 =	sadd.s32 s1, s29;
	[sflag:s0] =	ssyncadd.s32 @p0 $0xFFFFF800  }
0x107: {  	[tilespmem:s5], [sflag:$0x2] =	stream.linear.gather [hbm4b:s6+s5], $0x800, $0x38;
	[tilespmem:$0x19880] =	vst v63  }
0x108: {  	s29 =	sadd.s32 s2, s29  }
0x109: {  	[tilespmem:s31], [sflag:$0x3] =	stream.linear.gather [hbm4b:s29+s5], $0x800, $0x38;
	[tilespmem:$0x19880] =	vst v63  }
0x10a: {  	_ =	swait.ge [sflag:s20], $0x800  }
0x10b: {  	[sflag:s20] =	ssyncset.done $0x0  }
0x10c: {  	[sflag:s20] =	ssyncadd.s32 $0xFFFFF800  }
0x10d: {  	_ =	swait.ge [sflag:s21], $0x800  }
0x10e: {  	[sflag:s21] =	ssyncset.done $0x0  }
0x10f: {  	[sflag:s21] =	ssyncadd.s32 $0xFFFFF800  }
0x110: {  	[hbm4b:s4+s31] =	stream.indirect.scatter [tilespmem:s31], [sflag:$0x1], $0x1, s5, s31, $0xb8;
	[tilespmem:$0x19880] =	vst v63  }
0x111: {  	_ =	swait.ge [sflag:s0], $0x800  }
0x112: {  	[sflag:s0] =	ssyncset.done $0x0  }
0x113: {  	[sflag:s0] =	ssyncadd.s32 $0xFFFFF800  }
.LBB2_13:
0x114: {  	(v2sf) =	vpush v0, $0x4  }
0x115: {  	(v2sf) =	vpush v0, $0x5;
	_ =	sdelay $0xd  }
0x116: {  	s7 =	spop (v2sf)  }
0x117: {  	s6 =	spop (v2sf);
	s24 =	sand.u32 $0xFFFFFFF8, s7  }
0x118: {  	s6 =	ssub.s32 s6, s24  }
0x119: {  	s6 =	sadd.s32 $0x7FF, s6  }
0x11a: {  	s6 =	sshra.s32 s6, $0xB  }
0x11b: {  	p0 =	slt.s32 s6, $0x1  }
.Ltmp11:
0x11c: {  	_ = 	snop;
	(pc) =	sbr.rel @p0 .LBB2_18-.Ltmp11, $1  }
0x11d: {  	_ =	sdelay $0x3  }
0x11e: {  	p1 =	sne.s32 s6, $0x1  }
.Ltmp12:
0x11f: {  	_ = 	snop;
	(pc) =	sbr.rel @!p1 .LBB2_17-.Ltmp12, $2  }
0x120: {  	_ =	sdelay $0x2  }
0x121: {  	s6 =	sadd.s32 $0xFFFFFFFF, s6;
	s29 =	sshrl.u32 s7, $0x3;
	p0 =	por $0x0, $0x0  }
0x122: {  	s24 =	sadd.s32 s1, s29  }
0x123: {  	[tilespmem:s5], [sflag:$0x2] =	stream.linear.gather [hbm4b:s24+s5], $0x800, $0x38;
	[tilespmem:$0x19880] =	vst v63  }
0x124: {  	s25 =	sadd.s32 s2, s29  }
0x125: {  	[tilespmem:s31], [sflag:$0x3] =	stream.linear.gather [hbm4b:s25+s5], $0x800, $0x38;
	[tilespmem:$0x19880] =	vst v63  }
0x126: {  	_ =	swait.ge [sflag:s20], $0x800  }
0x127: {  	[sflag:s20] =	ssyncset.done $0x0  }
0x128: {  	[sflag:s20] =	ssyncadd.s32 $0xFFFFF800  }
0x129: {  	p1 =	sne.s32 s6, $0x1;
	_ =	swait.ge [sflag:s21], $0x800  }
.Ltmp13:
0x12a: {  	[sflag:s21] =	ssyncset.done $0x0;
	(pc) =	sbr.rel @!p1 .LBB2_17-.Ltmp13, $4  }
0x12b: {  	[sflag:s21] =	ssyncadd.s32 $0xFFFFF800  }
0x12c: {  	[hbm4b:s4+s31] =	stream.indirect.scatter [tilespmem:s31], [sflag:$0x1], $0x1, s5, s31, $0xb8;
	[tilespmem:$0x19880] =	vst v63  }
0x12d: {  	s6 =	sadd.s32 $0xFFFFFFFF, s6;
	s7 =	sadd.s32 $0x800, s7;
	_ =	swait.ge [sflag:s0], $0x800  }
0x12e: {  	p0 =	por $0x1, $0x1;
	s29 =	sshrl.u32 s7, $0x3;
	[sflag:s0] =	ssyncset.done $0x0  }
.LBB2_16:
0x12f: {  	p1 =	sne.s32 s6, $0x1;
	s24 =	sadd.s32 s1, s29;
	[sflag:s0] =	ssyncadd.s32 $0xFFFFF800  }
0x130: {  	[tilespmem:s5], [sflag:$0x2] =	stream.linear.gather [hbm4b:s24+s5], $0x800, $0x38;
	[tilespmem:$0x19880] =	vst v63  }
0x131: {  	s6 =	sadd.s32 $0xFFFFFFFF, s6;
	s24 =	sadd.s32 s2, s29  }
0x132: {  	[tilespmem:s31], [sflag:$0x3] =	stream.linear.gather [hbm4b:s24+s5], $0x800, $0x38;
	[tilespmem:$0x19880] =	vst v63  }
0x133: {  	_ =	swait.ge [sflag:s20], $0x800  }
0x134: {  	[sflag:s20] =	ssyncset.done $0x0  }
0x135: {  	[sflag:s20] =	ssyncadd.s32 $0xFFFFF800  }
0x136: {  	_ =	swait.ge [sflag:s21], $0x800  }
.Ltmp14:
0x137: {  	[sflag:s21] =	ssyncset.done $0x0;
	(pc) =	sbr.rel @p1 .LBB2_16-.Ltmp14, $4  }
0x138: {  	[sflag:s21] =	ssyncadd.s32 $0xFFFFF800  }
0x139: {  	[hbm4b:s4+s31] =	stream.indirect.scatter [tilespmem:s31], [sflag:$0x1], $0x1, s5, s31, $0xb8;
	[tilespmem:$0x19880] =	vst v63  }
0x13a: {  	s7 =	sadd.s32 $0x800, s7;
	_ =	swait.ge [sflag:s0], $0x800  }
0x13b: {  	s29 =	sshrl.u32 s7, $0x3;
	[sflag:s0] =	ssyncset.done $0x0  }
.LBB2_17:
0x13c: {  	s6 =	sadd.s32 s1, s29;
	[sflag:s0] =	ssyncadd.s32 @p0 $0xFFFFF800  }
0x13d: {  	[tilespmem:s5], [sflag:$0x2] =	stream.linear.gather [hbm4b:s6+s5], $0x800, $0x38;
	[tilespmem:$0x19880] =	vst v63  }
0x13e: {  	s29 =	sadd.s32 s2, s29  }
0x13f: {  	[tilespmem:s31], [sflag:$0x3] =	stream.linear.gather [hbm4b:s29+s5], $0x800, $0x38;
	[tilespmem:$0x19880] =	vst v63  }
0x140: {  	_ =	swait.ge [sflag:s20], $0x800  }
0x141: {  	[sflag:s20] =	ssyncset.done $0x0  }
0x142: {  	[sflag:s20] =	ssyncadd.s32 $0xFFFFF800  }
0x143: {  	_ =	swait.ge [sflag:s21], $0x800  }
0x144: {  	[sflag:s21] =	ssyncset.done $0x0  }
0x145: {  	[sflag:s21] =	ssyncadd.s32 $0xFFFFF800  }
0x146: {  	[hbm4b:s4+s31] =	stream.indirect.scatter [tilespmem:s31], [sflag:$0x1], $0x1, s5, s31, $0xb8;
	[tilespmem:$0x19880] =	vst v63  }
0x147: {  	_ =	swait.ge [sflag:s0], $0x800  }
0x148: {  	[sflag:s0] =	ssyncset.done $0x0  }
0x149: {  	[sflag:s0] =	ssyncadd.s32 $0xFFFFF800  }
.LBB2_18:
0x14a: {  	(v2sf) =	vpush v0, $0x6  }
0x14b: {  	(v2sf) =	vpush v0, $0x7;
	_ =	sdelay $0xd  }
0x14c: {  	s7 =	spop (v2sf)  }
0x14d: {  	s6 =	spop (v2sf);
	s24 =	sand.u32 $0xFFFFFFF8, s7  }
0x14e: {  	s6 =	ssub.s32 s6, s24  }
0x14f: {  	s6 =	sadd.s32 $0x7FF, s6  }
0x150: {  	s6 =	sshra.s32 s6, $0xB  }
0x151: {  	p0 =	slt.s32 s6, $0x1  }
.Ltmp15:
0x152: {  	_ = 	snop;
	(pc) =	sbr.rel @p0 .LBB2_23-.Ltmp15, $1  }
0x153: {  	_ =	sdelay $0x3  }
0x154: {  	p1 =	sne.s32 s6, $0x1  }
.Ltmp16:
0x155: {  	_ = 	snop;
	(pc) =	sbr.rel @!p1 .LBB2_22-.Ltmp16, $2  }
0x156: {  	_ =	sdelay $0x2  }
0x157: {  	s6 =	sadd.s32 $0xFFFFFFFF, s6;
	s29 =	sshrl.u32 s7, $0x3;
	p0 =	por $0x0, $0x0  }
0x158: {  	s24 =	sadd.s32 s1, s29  }
0x159: {  	[tilespmem:s5], [sflag:$0x2] =	stream.linear.gather [hbm4b:s24+s5], $0x800, $0x38;
	[tilespmem:$0x19880] =	vst v63  }
0x15a: {  	s25 =	sadd.s32 s2, s29  }
0x15b: {  	[tilespmem:s31], [sflag:$0x3] =	stream.linear.gather [hbm4b:s25+s5], $0x800, $0x38;
	[tilespmem:$0x19880] =	vst v63  }
0x15c: {  	_ =	swait.ge [sflag:s20], $0x800  }
0x15d: {  	[sflag:s20] =	ssyncset.done $0x0  }
0x15e: {  	[sflag:s20] =	ssyncadd.s32 $0xFFFFF800  }
0x15f: {  	p1 =	sne.s32 s6, $0x1;
	_ =	swait.ge [sflag:s21], $0x800  }
.Ltmp17:
0x160: {  	[sflag:s21] =	ssyncset.done $0x0;
	(pc) =	sbr.rel @!p1 .LBB2_22-.Ltmp17, $4  }
0x161: {  	[sflag:s21] =	ssyncadd.s32 $0xFFFFF800  }
0x162: {  	[hbm4b:s4+s31] =	stream.indirect.scatter [tilespmem:s31], [sflag:$0x1], $0x1, s5, s31, $0xb8;
	[tilespmem:$0x19880] =	vst v63  }
0x163: {  	s6 =	sadd.s32 $0xFFFFFFFF, s6;
	s7 =	sadd.s32 $0x800, s7;
	_ =	swait.ge [sflag:s0], $0x800  }
0x164: {  	p0 =	por $0x1, $0x1;
	s29 =	sshrl.u32 s7, $0x3;
	[sflag:s0] =	ssyncset.done $0x0  }
.LBB2_21:
0x165: {  	p1 =	sne.s32 s6, $0x1;
	s24 =	sadd.s32 s1, s29;
	[sflag:s0] =	ssyncadd.s32 $0xFFFFF800  }
0x166: {  	[tilespmem:s5], [sflag:$0x2] =	stream.linear.gather [hbm4b:s24+s5], $0x800, $0x38;
	[tilespmem:$0x19880] =	vst v63  }
0x167: {  	s6 =	sadd.s32 $0xFFFFFFFF, s6;
	s24 =	sadd.s32 s2, s29  }
0x168: {  	[tilespmem:s31], [sflag:$0x3] =	stream.linear.gather [hbm4b:s24+s5], $0x800, $0x38;
	[tilespmem:$0x19880] =	vst v63  }
0x169: {  	_ =	swait.ge [sflag:s20], $0x800  }
0x16a: {  	[sflag:s20] =	ssyncset.done $0x0  }
0x16b: {  	[sflag:s20] =	ssyncadd.s32 $0xFFFFF800  }
0x16c: {  	_ =	swait.ge [sflag:s21], $0x800  }
.Ltmp18:
0x16d: {  	[sflag:s21] =	ssyncset.done $0x0;
	(pc) =	sbr.rel @p1 .LBB2_21-.Ltmp18, $4  }
0x16e: {  	[sflag:s21] =	ssyncadd.s32 $0xFFFFF800  }
0x16f: {  	[hbm4b:s4+s31] =	stream.indirect.scatter [tilespmem:s31], [sflag:$0x1], $0x1, s5, s31, $0xb8;
	[tilespmem:$0x19880] =	vst v63  }
0x170: {  	s7 =	sadd.s32 $0x800, s7;
	_ =	swait.ge [sflag:s0], $0x800  }
0x171: {  	s29 =	sshrl.u32 s7, $0x3;
	[sflag:s0] =	ssyncset.done $0x0  }
.Ltmp19:
0x172: {  	_ = 	snop;
	(pc) =	sbr.rel .LBB2_22-.Ltmp19, $1  }
0x173: {  	_ =	sdelay $0x3  }
.LBB2_24:
0x174: {  	_ =	sfence.sel $0x180000  }
0x175: {  	[bflag:$0x0] =	sbarrier.arrive $0xFFFF  }
0x176: {  	_ =	strace $0x90000047  }
0x177: {  	s0 =	stileid.u32;
	[bflag:$0x2] =	sbarrier.arrive $0xFFFF  }
0x178: {  	p0 =	sne.s32 s0, $0x0;
	s0 =	rddreg [dreg:$0x5]  }
0x179: {  	s0 =	sadd.s32 @!p0 $0x100000, s0  }
0x17a: {  	[sflag:s0] =	ssyncadd.tile.s32 @!p0 $0x1;
	_ =	shalt  }
.Lfunc_end2:
_tile_overlayer_lowered:
.L_overlay_start_2:
0x17b: {  	(tag) =	ssettag $0x2  }
0x17c: {  	s0 =	rddreg [dreg:$0x0];
	s2 =	stileid.u32  }
0x17d: {  	s1 =	rddreg [dreg:$0x1];
	p0 =	sne.s32 s2, $0x0  }
0x17e: {  	s3 =	rddreg [dreg:$0x2];
	[bflag:$0x3] =	sbarrier.arrive $0xFFFF;
	s2 =	simm.s32 @!p0 $0x1C0A  }
0x17f: {  	[timem:s3], [sflag:s2] =	dma.local @!p0 [hbm:s0], s1  }
0x180: {  	s0 =	simm.s32 @!p0 $0xA  }
0x181: {  	_ =	swait.ge @!p0 [sflag:s0], s1  }
0x182: {  	s1 =	ssub.s32 @!p0 $0x0, s1;
	[sflag:s0] =	ssyncset.done @!p0 $0x0  }
0x183: {  	[sflag:s0] =	ssyncadd.s32 @!p0 s1  }
0x184: {  	[bflag:$0x3] =	sbarrier.arrive $0xFFFF  }
0x185: {  	_ =	shalt  }

</sc_bundles>
